<compile_context>
chip_gen: v7x
topology: tpu7x:2x2x1
jax: 0.10.2.dev20260603
libtpu: 0.0.44.dev20260713+nightly
codegen_flags: <defaults>
</compile_context>

<pallas_src>
import functools

import jax
import jax.numpy as jnp
from jax import lax
from jax.experimental import pallas as pl
from jax.experimental.pallas import tpu as pltpu
from jax.experimental.pallas import tpu_sc as plsc

NTILE = 16
NSC = 2
NW = NTILE * NSC
CK = 128
WH = 8


def _sc_mesh():
    return plsc.VectorSubcoreMesh(core_axis_name="c", subcore_axis_name="s")


def _make_hist(steps, NP):
    rpt = NP // NTILE

    @functools.partial(
        pl.kernel,
        out_type=jax.ShapeDtypeStruct((NSC, NP, WH), jnp.float32),
        mesh=_sc_mesh(),
        scratch_types=[
            pltpu.VMEM((steps, CK), jnp.int32),
            pltpu.VMEM((CK, WH), jnp.float32),
            pltpu.VMEM_SHARED((NP, WH), jnp.float32),
        ],
        compiler_params=pltpu.CompilerParams(use_tc_tiling_on_sc=False),
    )
    def hist_k(dst_hbm, ones_hbm, zeros_hbm, out_hbm, dst_v, ones_v, acc):
        c = lax.axis_index("c")
        s = lax.axis_index("s")
        w = c * NTILE + s
        pltpu.sync_copy(dst_hbm.at[w], dst_v)
        pltpu.sync_copy(ones_hbm, ones_v)
        pltpu.sync_copy(zeros_hbm, acc.at[pl.ds(s * rpt, rpt)])
        plsc.subcore_barrier()

        def body(j, carry):
            pltpu.sync_copy(ones_v, acc.at[dst_v.at[j]], add=True)
            return carry

        lax.fori_loop(0, steps, body, 0)
        plsc.subcore_barrier()
        pltpu.sync_copy(acc.at[pl.ds(s * rpt, rpt)],
                        out_hbm.at[c].at[pl.ds(s * rpt, rpt)])

    return hist_k


def _make_edges(steps, NP, CH):
    rpt = NP // NTILE
    nchunks = steps // CH

    @functools.partial(
        pl.kernel,
        out_type=jax.ShapeDtypeStruct((NSC, NP, 128), jnp.bfloat16),
        mesh=_sc_mesh(),
        scratch_types=[
            pltpu.VMEM((CH * CK,), jnp.int32),
            pltpu.VMEM((CH, CK), jnp.int32),
            pltpu.VMEM((CK, 64), jnp.bfloat16),
            pltpu.VMEM((CK, 64), jnp.bfloat16),
            pltpu.VMEM((CK, 64), jnp.bfloat16),
            pltpu.VMEM((CK, 64), jnp.bfloat16),
            pltpu.VMEM_SHARED((NP, 64), jnp.bfloat16),
            pltpu.SemaphoreType.DMA,
            pltpu.SemaphoreType.DMA,
            pltpu.SemaphoreType.DMA,
            pltpu.SemaphoreType.DMA,
        ],
        compiler_params=pltpu.CompilerParams(use_tc_tiling_on_sc=False),
    )
    def edges_k(src_hbm, dst_hbm, t0, t1, zeros_hbm, out_hbm,
                src_c, dst_c, r0, r1, r2, r3, acc, s0, s1, s2, s3):
        c = lax.axis_index("c")
        s = lax.axis_index("s")
        w = c * NTILE + s
        rows = (r0, r1, r2, r3)
        sems = (s0, s1, s2, s3)
        for g, tbl in enumerate((t0, t1)):
            pltpu.sync_copy(zeros_hbm, acc.at[pl.ds(s * rpt, rpt)])
            plsc.subcore_barrier()

            def chunk(ci, carry):
                base = w * (steps * CK) + ci * (CH * CK)
                pltpu.sync_copy(src_hbm.at[pl.ds(base, CH * CK)], src_c)
                pltpu.sync_copy(dst_hbm.at[w].at[pl.ds(ci * CH, CH)], dst_c)

                def sidx(j):
                    return src_c.at[pl.ds(j * CK, CK)]

                for k in range(4):
                    pltpu.async_copy(tbl.at[sidx(k)], rows[k], sems[k])

                def quad(q, carry2):
                    for k in range(4):
                        j = 4 * q + k
                        pltpu.make_async_copy(tbl.at[sidx(j)], rows[k],
                                              sems[k]).wait()
                        pltpu.sync_copy(rows[k], acc.at[dst_c.at[j]],
                                        add=True)
                        pltpu.async_copy(tbl.at[sidx(j + 4)], rows[k],
                                         sems[k])
                    return carry2

                carry = lax.fori_loop(0, CH // 4 - 1, quad, carry)
                for k in range(4):
                    j = CH - 4 + k
                    pltpu.make_async_copy(tbl.at[sidx(j)], rows[k],
                                          sems[k]).wait()
                    pltpu.sync_copy(rows[k], acc.at[dst_c.at[j]], add=True)
                return carry

            lax.fori_loop(0, nchunks, chunk, 0)
            plsc.subcore_barrier()
            pltpu.sync_copy(
                acc.at[pl.ds(s * rpt, rpt)],
                out_hbm.at[c, pl.ds(s * rpt, rpt), pl.ds(64 * g, 64)])

    return edges_k


def _deg_dis(h):
    deg = (jnp.sum(h[0], axis=1, keepdims=True)
           + jnp.sum(h[1], axis=1, keepdims=True)) * (1.0 / WH) + 2.0
    return lax.rsqrt(deg)


def _scale_body(h_ref, x_ref, hc_ref, t0_ref, t1_ref):
    dis = _deg_dis(h_ref[...])
    xb = x_ref[...]
    hb = hc_ref[...]
    t0_ref[...] = (jnp.concatenate([xb[0], hb[0]], axis=1)
                   * dis).astype(jnp.bfloat16)
    t1_ref[...] = (jnp.concatenate([xb[1], hb[1]], axis=1)
                   * dis).astype(jnp.bfloat16)


def _final_body(p_ref, h_ref, t0_ref, t1_ref, cc_ref,
                w_ref, b_ref, hn_ref, cn_ref):
    dis = _deg_dis(h_ref[...])
    agg = p_ref[...]
    scl = jnp.concatenate(
        [t0_ref[...], t1_ref[...]], axis=1).astype(jnp.float32)
    prop = (agg + 2.0 * scl) * dis
    wmat = w_ref[...]
    bias = b_ref[...]
    hs, cs = [], []
    for bi in range(2):
        pb = prop[:, 64 * bi:64 * (bi + 1)]
        gt = jnp.dot(pb, wmat, preferred_element_type=jnp.float32) + bias
        ii = jax.nn.sigmoid(gt[:, 0:32])
        ff = jax.nn.sigmoid(gt[:, 32:64])
        oo = jax.nn.sigmoid(gt[:, 64:96])
        gg = jnp.tanh(gt[:, 96:128])
        cn = ff * cc_ref[bi] + ii * gg
        hs.append(oo * jnp.tanh(cn))
        cs.append(cn)
    hn_ref[...] = jnp.stack(hs)
    cn_ref[...] = jnp.stack(cs)


def kernel(input_tensor, h_cur, c_cur, edge_index, W, b):
    B, N, IN = input_tensor.shape
    H = h_cur.shape[2]
    E = edge_index.shape[1]
    F = B * (IN + H)

    NP = ((N + 1 + 127) // 128) * 128
    steps = (E + NW * CK - 1) // (NW * CK)
    epad = NW * steps * CK - E

    pad_dst = N + jnp.arange(epad, dtype=jnp.int32) % (NP - N)
    src = jnp.concatenate(
        [edge_index[0], jnp.full((epad,), N, jnp.int32)])
    dst = jnp.concatenate(
        [edge_index[1], pad_dst]).reshape(NW, steps, CK)

    ones_h = jnp.ones((CK, WH), jnp.float32)
    zeros_h = jnp.zeros((NP // NTILE, WH), jnp.float32)
    zeros_e = jnp.zeros((NP // NTILE, 64), jnp.bfloat16)

    hist = _make_hist(steps, NP)(dst, ones_h, zeros_h)

    R = 2176
    grid = (NP // R,)
    tspec = pl.BlockSpec((R, 64), lambda i: (i, 0))
    tshape = jax.ShapeDtypeStruct((NP, 64), jnp.bfloat16)
    tables = pl.pallas_call(
        _scale_body,
        grid=grid,
        in_specs=[
            pl.BlockSpec((NSC, R, WH), lambda i: (0, i, 0)),
            pl.BlockSpec((B, R, IN), lambda i: (0, i, 0)),
            pl.BlockSpec((B, R, H), lambda i: (0, i, 0)),
        ],
        out_specs=[tspec, tspec],
        out_shape=[tshape, tshape],
    )(hist, input_tensor, h_cur)

    CH = 28
    part = _make_edges(steps, NP, CH)(src, dst, *tables, zeros_e)

    agg = (part[0] + part[1]).astype(jnp.float32)

    ospec = pl.BlockSpec((B, R, H), lambda i: (0, i, 0))
    hn, cn = pl.pallas_call(
        _final_body,
        grid=grid,
        in_specs=[
            pl.BlockSpec((R, 128), lambda i: (i, 0)),
            pl.BlockSpec((NSC, R, WH), lambda i: (0, i, 0)),
            tspec, tspec,
            ospec,
            pl.BlockSpec((IN + H, 4 * H), lambda i: (0, 0)),
            pl.BlockSpec((1, 4 * H), lambda i: (0, 0)),
        ],
        out_specs=[ospec, ospec],
        out_shape=[
            jax.ShapeDtypeStruct((B, N, H), jnp.float32),
            jax.ShapeDtypeStruct((B, N, H), jnp.float32),
        ],
    )(agg, hist, *tables, c_cur, W, b.reshape(1, 4 * H))

    return hn, cn

# --- scband reference (transcript-rebuilt; emitter-appended) ---
"""Pipeline reference for scband-gcnlstmcell-3599182594879 (READ-ONLY COPY).

The authoritative reference and input builder live on the scoring server;
editing this copy changes nothing except your own understanding.
"""

import jax, jax.numpy as jnp
import numpy as np

B = 2
N = 50000
E = 800000
IN = 32
H = 32

def setup_inputs(seed: int = 0) -> dict:
    key = jax.random.key(seed)
    ks = jax.random.split(key, 6)
    input_tensor = jax.random.normal(ks[0], (B, N, IN), dtype=jnp.float32)
    h_cur = jax.random.normal(ks[1], (B, N, H), dtype=jnp.float32)
    c_cur = jax.random.normal(ks[2], (B, N, H), dtype=jnp.float32)
    edge_index = jax.random.randint(ks[3], (2, E), 0, N, dtype=jnp.int32)
    # GCNConv(in=IN+H, out=4*H, bias=True, improved=True) learned params
    fan_in = IN + H
    W = jax.random.normal(ks[4], (fan_in, 4 * H), dtype=jnp.float32) * (1.0 / np.sqrt(fan_in))
    b = jnp.zeros((4 * H,), dtype=jnp.float32)
    return {"input_tensor": input_tensor, "h_cur": h_cur, "c_cur": c_cur,
            "edge_index": edge_index, "W": W, "b": b}


def _gcn_conv(x, src, dst, W, b):
    # GCNConv with improved=True: x' = D^{-1/2} (A + 2I) D^{-1/2} X W + b
    n = x.shape[1]
    deg = jnp.zeros((n,), dtype=jnp.float32).at[dst].add(1.0) + 2.0  # self-loop weight 2
    dis = jax.lax.rsqrt(deg)
    norm = dis[src] * dis[dst]  # per-edge normalization
    xw = x @ W  # (B, N, 4H) linear transform first (as in PyG GCNConv)
    msg = xw[:, src, :] * norm[None, :, None]  # gather source features (B, E, 4H)
    agg = jnp.zeros_like(xw).at[:, dst, :].add(msg)  # scatter-add to dst
    # self-loop contribution: weight 2 * dis[i]^2
    agg = agg + xw * (2.0 * dis * dis)[None, :, None]
    return agg + b[None, None, :]


def reference(input_tensor, h_cur, c_cur, edge_index, W, b):
    combined = jnp.concatenate([input_tensor, h_cur], axis=2)  # (B, N, IN+H)
    src = edge_index[0]
    dst = edge_index[1]
    combined_conv = _gcn_conv(combined, src, dst, W, b)  # (B, N, 4H)
    cc_i, cc_f, cc_o, cc_g = jnp.split(combined_conv, 4, axis=2)
    i = jax.nn.sigmoid(cc_i)
    f = jax.nn.sigmoid(cc_f)
    o = jax.nn.sigmoid(cc_o)
    g = jnp.tanh(cc_g)
    c_next = f * c_cur + i * g
    h_next = o * jnp.tanh(c_next)
    return (h_next, c_next)

if __name__ == "__main__":
    import jax
    _d = setup_inputs()
    print(jax.jit(kernel)(*tuple(_d.values())))

</pallas_src>

<mosaic_0001>
#map = affine_map<(d0, d1) -> (0, 0, 0)>
#map1 = affine_map<(d0, d1) -> (0, 0)>
module attributes {stable_mosaic.version = 14 : i64} {
  func.func @hist_k(%arg0: i32, %arg1: i32, %arg2: memref<32x196x128xi32, #tpu.memory_space<hbm>>, %arg3: memref<128x8xf32, #tpu.memory_space<hbm>>, %arg4: memref<3128x8xf32, #tpu.memory_space<hbm>>, %arg5: memref<2x50048x8xf32, #tpu.memory_space<hbm>>, %arg6: memref<196x128xi32, #tpu.memory_space<vmem>>, %arg7: memref<128x8xf32, #tpu.memory_space<vmem>>, %arg8: memref<50048x8xf32, #tpu.memory_space<vmem_shared>>) attributes {dimension_semantics = [#tpu.dimension_semantics<core_parallel>, #tpu.dimension_semantics<subcore_parallel>], iteration_bounds = array<i64: 2, 16>, scalar_prefetch = 0 : i64, scratch_operands = 3 : i64, tpu.core_type = #tpu.core_type<sc_vector_subcore>, window_params = [{transform_indices = #map}, {transform_indices = #map1}, {transform_indices = #map1}, {transform_indices = #map}]} {
    %mul3A = arith.constant 16 : i32
    %mul3A_0 = arith.muli %arg0, %mul3A : i32
    %add3A = arith.addi %mul3A_0, %arg1 : i32
    "tpu.region"() ({
      %run_scoped3A = tpu.sem_alloc : memref<!tpu.dma_semaphore, #tpu.memory_space<semaphore_mem>>
      %dma_start3A = arith.constant 0 : i32
      %dma_start3A_13 = arith.constant 0 : i32
      %dma_start3A_14 = tpu.memref_slice %arg2[%add3A, %dma_start3A, %dma_start3A_13] : memref<32x196x128xi32, #tpu.memory_space<hbm>> -> memref<1x196x128xi32, #tpu.memory_space<hbm>>
      %dma_start3A_15 = tpu.memref_squeeze %dma_start3A_14 : memref<1x196x128xi32, #tpu.memory_space<hbm>> -> memref<196x128xi32, #tpu.memory_space<hbm>>
      %dma_start3A_16 = arith.constant 0 : i32
      %dma_start3A_17 = arith.constant 0 : i32
      %dma_start3A_18 = tpu.memref_slice %arg2[%add3A, %dma_start3A_16, %dma_start3A_17] : memref<32x196x128xi32, #tpu.memory_space<hbm>> -> memref<1x196x128xi32, #tpu.memory_space<hbm>>
      %dma_start3A_19 = tpu.memref_squeeze %dma_start3A_18 : memref<1x196x128xi32, #tpu.memory_space<hbm>> -> memref<196x128xi32, #tpu.memory_space<hbm>>
      tpu.enqueue_dma source(%dma_start3A_19 : memref<196x128xi32, #tpu.memory_space<hbm>>) target(%arg6 : memref<196x128xi32, #tpu.memory_space<vmem>>) target_semaphore(%run_scoped3A : memref<!tpu.dma_semaphore, #tpu.memory_space<semaphore_mem>>)
      %dma_wait3A = arith.constant 0 : i32
      %dma_wait3A_20 = arith.constant 0 : i32
      %dma_wait3A_21 = tpu.memref_slice %arg2[%add3A, %dma_wait3A, %dma_wait3A_20] : memref<32x196x128xi32, #tpu.memory_space<hbm>> -> memref<1x196x128xi32, #tpu.memory_space<hbm>>
      %dma_wait3A_22 = tpu.memref_squeeze %dma_wait3A_21 : memref<1x196x128xi32, #tpu.memory_space<hbm>> -> memref<196x128xi32, #tpu.memory_space<hbm>>
      %dma_wait3A_23 = arith.constant 0 : i32
      %dma_wait3A_24 = arith.constant 0 : i32
      %dma_wait3A_25 = tpu.memref_slice %arg2[%add3A, %dma_wait3A_23, %dma_wait3A_24] : memref<32x196x128xi32, #tpu.memory_space<hbm>> -> memref<1x196x128xi32, #tpu.memory_space<hbm>>
      %dma_wait3A_26 = tpu.memref_squeeze %dma_wait3A_25 : memref<1x196x128xi32, #tpu.memory_space<hbm>> -> memref<196x128xi32, #tpu.memory_space<hbm>>
      tpu.wait_dma2 semaphore(%run_scoped3A : memref<!tpu.dma_semaphore, #tpu.memory_space<semaphore_mem>>) src(%dma_wait3A_26 : memref<196x128xi32, #tpu.memory_space<hbm>>) dst(%arg6 : memref<196x128xi32, #tpu.memory_space<vmem>>)
      tpu.yield
    }) : () -> ()
    "tpu.region"() ({
      %run_scoped3A = tpu.sem_alloc : memref<!tpu.dma_semaphore, #tpu.memory_space<semaphore_mem>>
      tpu.enqueue_dma source(%arg3 : memref<128x8xf32, #tpu.memory_space<hbm>>) target(%arg7 : memref<128x8xf32, #tpu.memory_space<vmem>>) target_semaphore(%run_scoped3A : memref<!tpu.dma_semaphore, #tpu.memory_space<semaphore_mem>>)
      tpu.wait_dma2 semaphore(%run_scoped3A : memref<!tpu.dma_semaphore, #tpu.memory_space<semaphore_mem>>) src(%arg3 : memref<128x8xf32, #tpu.memory_space<hbm>>) dst(%arg7 : memref<128x8xf32, #tpu.memory_space<vmem>>)
      tpu.yield
    }) : () -> ()
    %mul3A_1 = arith.constant 3128 : i32
    %mul3A_2 = arith.muli %arg1, %mul3A_1 : i32
    "tpu.region"() ({
      %run_scoped3A = tpu.sem_alloc : memref<!tpu.dma_semaphore, #tpu.memory_space<semaphore_mem>>
      %dma_start3A = arith.constant 0 : i32
      %dma_start3A_13 = tpu.memref_slice %arg8[%mul3A_2, %dma_start3A] : memref<50048x8xf32, #tpu.memory_space<vmem_shared>> -> memref<3128x8xf32, #tpu.memory_space<vmem_shared>>
      tpu.enqueue_dma source(%arg4 : memref<3128x8xf32, #tpu.memory_space<hbm>>) target(%dma_start3A_13 : memref<3128x8xf32, #tpu.memory_space<vmem_shared>>) target_semaphore(%run_scoped3A : memref<!tpu.dma_semaphore, #tpu.memory_space<semaphore_mem>>)
      %dma_wait3A = arith.constant 0 : i32
      %dma_wait3A_14 = tpu.memref_slice %arg8[%mul3A_2, %dma_wait3A] : memref<50048x8xf32, #tpu.memory_space<vmem_shared>> -> memref<3128x8xf32, #tpu.memory_space<vmem_shared>>
      tpu.wait_dma2 semaphore(%run_scoped3A : memref<!tpu.dma_semaphore, #tpu.memory_space<semaphore_mem>>) src(%arg4 : memref<3128x8xf32, #tpu.memory_space<hbm>>) dst(%dma_wait3A_14 : memref<3128x8xf32, #tpu.memory_space<vmem_shared>>)
      tpu.yield
    }) : () -> ()
    %barrier3A = arith.constant 0 : index
    tpu.barrier barrier_id(%barrier3A)
    %scan3A = arith.constant 0 : i32
    %scan3A_3 = arith.constant 0 : i32
    %scan3A_4 = arith.constant 196 : i32
    %scan3A_5 = arith.addi %scan3A_3, %scan3A_4 : i32
    %scan3A_6 = arith.constant 1 : i32
    scf.for %scan3A_13 = %scan3A_3 to %scan3A_5 step %scan3A_6  : i32 {
      "tpu.region"() ({
        %run_scoped3A = tpu.sem_alloc : memref<!tpu.dma_semaphore, #tpu.memory_space<semaphore_mem>>
        %dma_start3A = arith.constant 0 : i32
        %dma_start3A_14 = tpu.memref_slice %arg6[%scan3A_13, %dma_start3A] : memref<196x128xi32, #tpu.memory_space<vmem>> -> memref<1x128xi32, #tpu.memory_space<vmem>>
        %dma_start3A_15 = tpu.memref_squeeze %dma_start3A_14 : memref<1x128xi32, #tpu.memory_space<vmem>> -> memref<128xi32, #tpu.memory_space<vmem>>
        %dma_start3A_16 = arith.constant 0 : i32
        %dma_start3A_17 = arith.constant 0 : i32
        %dma_start3A_18 = tpu.memref_slice %arg8[%dma_start3A_16, %dma_start3A_17] : memref<50048x8xf32, #tpu.memory_space<vmem_shared>> -> memref<50048x8xf32, #tpu.memory_space<vmem_shared>>
        tpu.enqueue_indirect_dma source(%arg7 : memref<128x8xf32, #tpu.memory_space<vmem>>) target(%dma_start3A_18 : memref<50048x8xf32, #tpu.memory_space<vmem_shared>>) offsets(%dma_start3A_15 : memref<128xi32, #tpu.memory_space<vmem>>) semaphore(%run_scoped3A : memref<!tpu.dma_semaphore, #tpu.memory_space<semaphore_mem>>) {add = true}
        %dma_wait3A = arith.constant 0 : i32
        %dma_wait3A_19 = tpu.memref_slice %arg6[%scan3A_13, %dma_wait3A] : memref<196x128xi32, #tpu.memory_space<vmem>> -> memref<1x128xi32, #tpu.memory_space<vmem>>
        %dma_wait3A_20 = tpu.memref_squeeze %dma_wait3A_19 : memref<1x128xi32, #tpu.memory_space<vmem>> -> memref<128xi32, #tpu.memory_space<vmem>>
        %dma_wait3A_21 = arith.constant 0 : i32
        %dma_wait3A_22 = arith.constant 0 : i32
        %dma_wait3A_23 = tpu.memref_slice %arg8[%dma_wait3A_21, %dma_wait3A_22] : memref<50048x8xf32, #tpu.memory_space<vmem_shared>> -> memref<50048x8xf32, #tpu.memory_space<vmem_shared>>
        tpu.wait_indirect_dma semaphore(%run_scoped3A : memref<!tpu.dma_semaphore, #tpu.memory_space<semaphore_mem>>) src(%arg7 : memref<128x8xf32, #tpu.memory_space<vmem>>) dst(%dma_wait3A_23 : memref<50048x8xf32, #tpu.memory_space<vmem_shared>>)
        tpu.yield
      }) : () -> ()
    }
    %scan3A_7 = arith.constant 196 : i32
    %barrier3A_8 = arith.constant 0 : index
    tpu.barrier barrier_id(%barrier3A_8)
    %mul3A_9 = arith.constant 3128 : i32
    %mul3A_10 = arith.muli %arg1, %mul3A_9 : i32
    %mul3A_11 = arith.constant 3128 : i32
    %mul3A_12 = arith.muli %arg1, %mul3A_11 : i32
    "tpu.region"() ({
      %run_scoped3A = tpu.sem_alloc : memref<!tpu.dma_semaphore, #tpu.memory_space<semaphore_mem>>
      %dma_start3A = arith.constant 0 : i32
      %dma_start3A_13 = arith.constant 0 : i32
      %dma_start3A_14 = tpu.memref_slice %arg5[%arg0, %dma_start3A, %dma_start3A_13] : memref<2x50048x8xf32, #tpu.memory_space<hbm>> -> memref<1x50048x8xf32, #tpu.memory_space<hbm>>
      %dma_start3A_15 = tpu.memref_squeeze %dma_start3A_14 : memref<1x50048x8xf32, #tpu.memory_space<hbm>> -> memref<50048x8xf32, #tpu.memory_space<hbm>>
      %dma_start3A_16 = arith.constant 0 : i32
      %dma_start3A_17 = tpu.memref_slice %dma_start3A_15[%mul3A_12, %dma_start3A_16] : memref<50048x8xf32, #tpu.memory_space<hbm>> -> memref<3128x8xf32, #tpu.memory_space<hbm>>
      %dma_start3A_18 = arith.constant 0 : i32
      %dma_start3A_19 = tpu.memref_slice %arg8[%mul3A_10, %dma_start3A_18] : memref<50048x8xf32, #tpu.memory_space<vmem_shared>> -> memref<3128x8xf32, #tpu.memory_space<vmem_shared>>
      tpu.enqueue_dma source(%dma_start3A_19 : memref<3128x8xf32, #tpu.memory_space<vmem_shared>>) target(%dma_start3A_17 : memref<3128x8xf32, #tpu.memory_space<hbm>>) target_semaphore(%run_scoped3A : memref<!tpu.dma_semaphore, #tpu.memory_space<semaphore_mem>>)
      %dma_wait3A = arith.constant 0 : i32
      %dma_wait3A_20 = arith.constant 0 : i32
      %dma_wait3A_21 = tpu.memref_slice %arg5[%arg0, %dma_wait3A, %dma_wait3A_20] : memref<2x50048x8xf32, #tpu.memory_space<hbm>> -> memref<1x50048x8xf32, #tpu.memory_space<hbm>>
      %dma_wait3A_22 = tpu.memref_squeeze %dma_wait3A_21 : memref<1x50048x8xf32, #tpu.memory_space<hbm>> -> memref<50048x8xf32, #tpu.memory_space<hbm>>
      %dma_wait3A_23 = arith.constant 0 : i32
      %dma_wait3A_24 = tpu.memref_slice %dma_wait3A_22[%mul3A_12, %dma_wait3A_23] : memref<50048x8xf32, #tpu.memory_space<hbm>> -> memref<3128x8xf32, #tpu.memory_space<hbm>>
      %dma_wait3A_25 = arith.constant 0 : i32
      %dma_wait3A_26 = tpu.memref_slice %arg8[%mul3A_10, %dma_wait3A_25] : memref<50048x8xf32, #tpu.memory_space<vmem_shared>> -> memref<3128x8xf32, #tpu.memory_space<vmem_shared>>
      tpu.wait_dma2 semaphore(%run_scoped3A : memref<!tpu.dma_semaphore, #tpu.memory_space<semaphore_mem>>) src(%dma_wait3A_26 : memref<3128x8xf32, #tpu.memory_space<vmem_shared>>) dst(%dma_wait3A_24 : memref<3128x8xf32, #tpu.memory_space<hbm>>)
      tpu.yield
    }) : () -> ()
    return
  }
}

#map = affine_map<(d0, d1) -> (0)>
#map1 = affine_map<(d0, d1) -> (0, 0, 0)>
#map2 = affine_map<(d0, d1) -> (0, 0)>
module attributes {stable_mosaic.version = 14 : i64} {
  func.func @edges_k(%arg0: i32, %arg1: i32, %arg2: memref<802816xi32, #tpu.memory_space<hbm>>, %arg3: memref<32x196x128xi32, #tpu.memory_space<hbm>>, %arg4: memref<50048x64xbf16, #tpu.memory_space<hbm>>, %arg5: memref<50048x64xbf16, #tpu.memory_space<hbm>>, %arg6: memref<3128x64xbf16, #tpu.memory_space<hbm>>, %arg7: memref<2x50048x128xbf16, #tpu.memory_space<hbm>>, %arg8: memref<3584xi32, #tpu.memory_space<vmem>>, %arg9: memref<28x128xi32, #tpu.memory_space<vmem>>, %arg10: memref<128x64xbf16, #tpu.memory_space<vmem>>, %arg11: memref<128x64xbf16, #tpu.memory_space<vmem>>, %arg12: memref<128x64xbf16, #tpu.memory_space<vmem>>, %arg13: memref<128x64xbf16, #tpu.memory_space<vmem>>, %arg14: memref<50048x64xbf16, #tpu.memory_space<vmem_shared>>, %arg15: memref<!tpu.dma_semaphore, #tpu.memory_space<semaphore_mem>>, %arg16: memref<!tpu.dma_semaphore, #tpu.memory_space<semaphore_mem>>, %arg17: memref<!tpu.dma_semaphore, #tpu.memory_space<semaphore_mem>>, %arg18: memref<!tpu.dma_semaphore, #tpu.memory_space<semaphore_mem>>) attributes {dimension_semantics = [#tpu.dimension_semantics<core_parallel>, #tpu.dimension_semantics<subcore_parallel>], iteration_bounds = array<i64: 2, 16>, scalar_prefetch = 0 : i64, scratch_operands = 11 : i64, tpu.core_type = #tpu.core_type<sc_vector_subcore>, window_params = [{transform_indices = #map}, {transform_indices = #map1}, {transform_indices = #map2}, {transform_indices = #map2}, {transform_indices = #map2}, {transform_indices = #map1}]} {
    %mul3A = arith.constant 16 : i32
    %mul3A_0 = arith.muli %arg0, %mul3A : i32
    %add3A = arith.addi %mul3A_0, %arg1 : i32
    %mul3A_1 = arith.constant 3128 : i32
    %mul3A_2 = arith.muli %arg1, %mul3A_1 : i32
    "tpu.region"() ({
      %run_scoped3A = tpu.sem_alloc : memref<!tpu.dma_semaphore, #tpu.memory_space<semaphore_mem>>
      %dma_start3A = arith.constant 0 : i32
      %dma_start3A_27 = tpu.memref_slice %arg14[%mul3A_2, %dma_start3A] : memref<50048x64xbf16, #tpu.memory_space<vmem_shared>> -> memref<3128x64xbf16, #tpu.memory_space<vmem_shared>>
      tpu.enqueue_dma source(%arg6 : memref<3128x64xbf16, #tpu.memory_space<hbm>>) target(%dma_start3A_27 : memref<3128x64xbf16, #tpu.memory_space<vmem_shared>>) target_semaphore(%run_scoped3A : memref<!tpu.dma_semaphore, #tpu.memory_space<semaphore_mem>>)
      %dma_wait3A = arith.constant 0 : i32
      %dma_wait3A_28 = tpu.memref_slice %arg14[%mul3A_2, %dma_wait3A] : memref<50048x64xbf16, #tpu.memory_space<vmem_shared>> -> memref<3128x64xbf16, #tpu.memory_space<vmem_shared>>
      tpu.wait_dma2 semaphore(%run_scoped3A : memref<!tpu.dma_semaphore, #tpu.memory_space<semaphore_mem>>) src(%arg6 : memref<3128x64xbf16, #tpu.memory_space<hbm>>) dst(%dma_wait3A_28 : memref<3128x64xbf16, #tpu.memory_space<vmem_shared>>)
      tpu.yield
    }) : () -> ()
    %barrier3A = arith.constant 0 : index
    tpu.barrier barrier_id(%barrier3A)
    %scan3A = arith.constant 0 : i32
    %scan3A_3 = arith.constant 0 : i32
    %scan3A_4 = arith.constant 7 : i32
    %scan3A_5 = arith.addi %scan3A_3, %scan3A_4 : i32
    %scan3A_6 = arith.constant 1 : i32
    scf.for %scan3A_27 = %scan3A_3 to %scan3A_5 step %scan3A_6  : i32 {
      %mul3A_28 = arith.constant 25088 : i32
      %mul3A_29 = arith.muli %add3A, %mul3A_28 : i32
      %mul3A_30 = arith.constant 3584 : i32
      %mul3A_31 = arith.muli %scan3A_27, %mul3A_30 : i32
      %add3A_32 = arith.addi %mul3A_29, %mul3A_31 : i32
      "tpu.region"() ({
        %run_scoped3A_81 = tpu.sem_alloc : memref<!tpu.dma_semaphore, #tpu.memory_space<semaphore_mem>>
        %dma_start3A_82 = tpu.memref_slice %arg2[%add3A_32] : memref<802816xi32, #tpu.memory_space<hbm>> -> memref<3584xi32, #tpu.memory_space<hbm>>
        %dma_start3A_83 = tpu.memref_slice %arg2[%add3A_32] : memref<802816xi32, #tpu.memory_space<hbm>> -> memref<3584xi32, #tpu.memory_space<hbm>>
        tpu.enqueue_dma source(%dma_start3A_83 : memref<3584xi32, #tpu.memory_space<hbm>>) target(%arg8 : memref<3584xi32, #tpu.memory_space<vmem>>) target_semaphore(%run_scoped3A_81 : memref<!tpu.dma_semaphore, #tpu.memory_space<semaphore_mem>>)
        %dma_wait3A_84 = tpu.memref_slice %arg2[%add3A_32] : memref<802816xi32, #tpu.memory_space<hbm>> -> memref<3584xi32, #tpu.memory_space<hbm>>
        %dma_wait3A_85 = tpu.memref_slice %arg2[%add3A_32] : memref<802816xi32, #tpu.memory_space<hbm>> -> memref<3584xi32, #tpu.memory_space<hbm>>
        tpu.wait_dma2 semaphore(%run_scoped3A_81 : memref<!tpu.dma_semaphore, #tpu.memory_space<semaphore_mem>>) src(%dma_wait3A_85 : memref<3584xi32, #tpu.memory_space<hbm>>) dst(%arg8 : memref<3584xi32, #tpu.memory_space<vmem>>)
        tpu.yield
      }) : () -> ()
      %mul3A_33 = arith.constant 28 : i32
      %mul3A_34 = arith.muli %scan3A_27, %mul3A_33 : i32
      "tpu.region"() ({
        %run_scoped3A_81 = tpu.sem_alloc : memref<!tpu.dma_semaphore, #tpu.memory_space<semaphore_mem>>
        %dma_start3A_82 = arith.constant 0 : i32
        %dma_start3A_83 = arith.constant 0 : i32
        %dma_start3A_84 = tpu.memref_slice %arg3[%add3A, %dma_start3A_82, %dma_start3A_83] : memref<32x196x128xi32, #tpu.memory_space<hbm>> -> memref<1x196x128xi32, #tpu.memory_space<hbm>>
        %dma_start3A_85 = tpu.memref_squeeze %dma_start3A_84 : memref<1x196x128xi32, #tpu.memory_space<hbm>> -> memref<196x128xi32, #tpu.memory_space<hbm>>
        %dma_start3A_86 = arith.constant 0 : i32
        %dma_start3A_87 = tpu.memref_slice %dma_start3A_85[%mul3A_34, %dma_start3A_86] : memref<196x128xi32, #tpu.memory_space<hbm>> -> memref<28x128xi32, #tpu.memory_space<hbm>>
        %dma_start3A_88 = arith.constant 0 : i32
        %dma_start3A_89 = arith.constant 0 : i32
        %dma_start3A_90 = tpu.memref_slice %arg3[%add3A, %dma_start3A_88, %dma_start3A_89] : memref<32x196x128xi32, #tpu.memory_space<hbm>> -> memref<1x196x128xi32, #tpu.memory_space<hbm>>
        %dma_start3A_91 = tpu.memref_squeeze %dma_start3A_90 : memref<1x196x128xi32, #tpu.memory_space<hbm>> -> memref<196x128xi32, #tpu.memory_space<hbm>>
        %dma_start3A_92 = arith.constant 0 : i32
        %dma_start3A_93 = tpu.memref_slice %dma_start3A_91[%mul3A_34, %dma_start3A_92] : memref<196x128xi32, #tpu.memory_space<hbm>> -> memref<28x128xi32, #tpu.memory_space<hbm>>
        tpu.enqueue_dma source(%dma_start3A_93 : memref<28x128xi32, #tpu.memory_space<hbm>>) target(%arg9 : memref<28x128xi32, #tpu.memory_space<vmem>>) target_semaphore(%run_scoped3A_81 : memref<!tpu.dma_semaphore, #tpu.memory_space<semaphore_mem>>)
        %dma_wait3A_94 = arith.constant 0 : i32
        %dma_wait3A_95 = arith.constant 0 : i32
        %dma_wait3A_96 = tpu.memref_slice %arg3[%add3A, %dma_wait3A_94, %dma_wait3A_95] : memref<32x196x128xi32, #tpu.memory_space<hbm>> -> memref<1x196x128xi32, #tpu.memory_space<hbm>>
        %dma_wait3A_97 = tpu.memref_squeeze %dma_wait3A_96 : memref<1x196x128xi32, #tpu.memory_space<hbm>> -> memref<196x128xi32, #tpu.memory_space<hbm>>
        %dma_wait3A_98 = arith.constant 0 : i32
        %dma_wait3A_99 = tpu.memref_slice %dma_wait3A_97[%mul3A_34, %dma_wait3A_98] : memref<196x128xi32, #tpu.memory_space<hbm>> -> memref<28x128xi32, #tpu.memory_space<hbm>>
        %dma_wait3A_100 = arith.constant 0 : i32
        %dma_wait3A_101 = arith.constant 0 : i32
        %dma_wait3A_102 = tpu.memref_slice %arg3[%add3A, %dma_wait3A_100, %dma_wait3A_101] : memref<32x196x128xi32, #tpu.memory_space<hbm>> -> memref<1x196x128xi32, #tpu.memory_space<hbm>>
        %dma_wait3A_103 = tpu.memref_squeeze %dma_wait3A_102 : memref<1x196x128xi32, #tpu.memory_space<hbm>> -> memref<196x128xi32, #tpu.memory_space<hbm>>
        %dma_wait3A_104 = arith.constant 0 : i32
        %dma_wait3A_105 = tpu.memref_slice %dma_wait3A_103[%mul3A_34, %dma_wait3A_104] : memref<196x128xi32, #tpu.memory_space<hbm>> -> memref<28x128xi32, #tpu.memory_space<hbm>>
        tpu.wait_dma2 semaphore(%run_scoped3A_81 : memref<!tpu.dma_semaphore, #tpu.memory_space<semaphore_mem>>) src(%dma_wait3A_105 : memref<28x128xi32, #tpu.memory_space<hbm>>) dst(%arg9 : memref<28x128xi32, #tpu.memory_space<vmem>>)
        tpu.yield
      }) : () -> ()
      %dma_start3A = arith.constant 0 : i32
      %dma_start3A_35 = tpu.memref_slice %arg8[%dma_start3A] : memref<3584xi32, #tpu.memory_space<vmem>> -> memref<128xi32, #tpu.memory_space<vmem>>
      %dma_start3A_36 = arith.constant 0 : i32
      %dma_start3A_37 = arith.constant 0 : i32
      %dma_start3A_38 = tpu.memref_slice %arg4[%dma_start3A_36, %dma_start3A_37] : memref<50048x64xbf16, #tpu.memory_space<hbm>> -> memref<50048x64xbf16, #tpu.memory_space<hbm>>
      tpu.enqueue_indirect_dma source(%dma_start3A_38 : memref<50048x64xbf16, #tpu.memory_space<hbm>>) target(%arg10 : memref<128x64xbf16, #tpu.memory_space<vmem>>) offsets(%dma_start3A_35 : memref<128xi32, #tpu.memory_space<vmem>>) semaphore(%arg15 : memref<!tpu.dma_semaphore, #tpu.memory_space<semaphore_mem>>)
      %dma_start3A_39 = arith.constant 128 : i32
      %dma_start3A_40 = tpu.memref_slice %arg8[%dma_start3A_39] : memref<3584xi32, #tpu.memory_space<vmem>> -> memref<128xi32, #tpu.memory_space<vmem>>
      %dma_start3A_41 = arith.constant 0 : i32
      %dma_start3A_42 = arith.constant 0 : i32
      %dma_start3A_43 = tpu.memref_slice %arg4[%dma_start3A_41, %dma_start3A_42] : memref<50048x64xbf16, #tpu.memory_space<hbm>> -> memref<50048x64xbf16, #tpu.memory_space<hbm>>
      tpu.enqueue_indirect_dma source(%dma_start3A_43 : memref<50048x64xbf16, #tpu.memory_space<hbm>>) target(%arg11 : memref<128x64xbf16, #tpu.memory_space<vmem>>) offsets(%dma_start3A_40 : memref<128xi32, #tpu.memory_space<vmem>>) semaphore(%arg16 : memref<!tpu.dma_semaphore, #tpu.memory_space<semaphore_mem>>)
      %dma_start3A_44 = arith.constant 256 : i32
      %dma_start3A_45 = tpu.memref_slice %arg8[%dma_start3A_44] : memref<3584xi32, #tpu.memory_space<vmem>> -> memref<128xi32, #tpu.memory_space<vmem>>
      %dma_start3A_46 = arith.constant 0 : i32
      %dma_start3A_47 = arith.constant 0 : i32
      %dma_start3A_48 = tpu.memref_slice %arg4[%dma_start3A_46, %dma_start3A_47] : memref<50048x64xbf16, #tpu.memory_space<hbm>> -> memref<50048x64xbf16, #tpu.memory_space<hbm>>
      tpu.enqueue_indirect_dma source(%dma_start3A_48 : memref<50048x64xbf16, #tpu.memory_space<hbm>>) target(%arg12 : memref<128x64xbf16, #tpu.memory_space<vmem>>) offsets(%dma_start3A_45 : memref<128xi32, #tpu.memory_space<vmem>>) semaphore(%arg17 : memref<!tpu.dma_semaphore, #tpu.memory_space<semaphore_mem>>)
      %dma_start3A_49 = arith.constant 384 : i32
      %dma_start3A_50 = tpu.memref_slice %arg8[%dma_start3A_49] : memref<3584xi32, #tpu.memory_space<vmem>> -> memref<128xi32, #tpu.memory_space<vmem>>
      %dma_start3A_51 = arith.constant 0 : i32
      %dma_start3A_52 = arith.constant 0 : i32
      %dma_start3A_53 = tpu.memref_slice %arg4[%dma_start3A_51, %dma_start3A_52] : memref<50048x64xbf16, #tpu.memory_space<hbm>> -> memref<50048x64xbf16, #tpu.memory_space<hbm>>
      tpu.enqueue_indirect_dma source(%dma_start3A_53 : memref<50048x64xbf16, #tpu.memory_space<hbm>>) target(%arg13 : memref<128x64xbf16, #tpu.memory_space<vmem>>) offsets(%dma_start3A_50 : memref<128xi32, #tpu.memory_space<vmem>>) semaphore(%arg18 : memref<!tpu.dma_semaphore, #tpu.memory_space<semaphore_mem>>)
      %scan3A_54 = arith.constant 0 : i32
      %scan3A_55 = arith.constant 6 : i32
      %scan3A_56 = arith.addi %scan3A_54, %scan3A_55 : i32
      %scan3A_57 = arith.constant 1 : i32
      scf.for %scan3A_81 = %scan3A_54 to %scan3A_56 step %scan3A_57  : i32 {
        %mul3A_82 = arith.constant 4 : i32
        %mul3A_83 = arith.muli %mul3A_82, %scan3A_81 : i32
        %add3A_84 = arith.constant 0 : i32
        %add3A_85 = arith.addi %mul3A_83, %add3A_84 : i32
        %mul3A_86 = arith.constant 128 : i32
        %mul3A_87 = arith.muli %add3A_85, %mul3A_86 : i32
        %dma_wait3A_88 = tpu.memref_slice %arg8[%mul3A_87] : memref<3584xi32, #tpu.memory_space<vmem>> -> memref<128xi32, #tpu.memory_space<vmem>>
        %dma_wait3A_89 = arith.constant 0 : i32
        %dma_wait3A_90 = arith.constant 0 : i32
        %dma_wait3A_91 = tpu.memref_slice %arg4[%dma_wait3A_89, %dma_wait3A_90] : memref<50048x64xbf16, #tpu.memory_space<hbm>> -> memref<50048x64xbf16, #tpu.memory_space<hbm>>
        tpu.wait_indirect_dma semaphore(%arg15 : memref<!tpu.dma_semaphore, #tpu.memory_space<semaphore_mem>>) src(%dma_wait3A_91 : memref<50048x64xbf16, #tpu.memory_space<hbm>>) dst(%arg10 : memref<128x64xbf16, #tpu.memory_space<vmem>>)
        "tpu.region"() ({
          %run_scoped3A_154 = tpu.sem_alloc : memref<!tpu.dma_semaphore, #tpu.memory_space<semaphore_mem>>
          %dma_start3A_155 = arith.constant 0 : i32
          %dma_start3A_156 = tpu.memref_slice %arg9[%add3A_85, %dma_start3A_155] : memref<28x128xi32, #tpu.memory_space<vmem>> -> memref<1x128xi32, #tpu.memory_space<vmem>>
          %dma_start3A_157 = tpu.memref_squeeze %dma_start3A_156 : memref<1x128xi32, #tpu.memory_space<vmem>> -> memref<128xi32, #tpu.memory_space<vmem>>
          %dma_start3A_158 = arith.constant 0 : i32
          %dma_start3A_159 = arith.constant 0 : i32
          %dma_start3A_160 = tpu.memref_slice %arg14[%dma_start3A_158, %dma_start3A_159] : memref<50048x64xbf16, #tpu.memory_space<vmem_shared>> -> memref<50048x64xbf16, #tpu.memory_space<vmem_shared>>
          tpu.enqueue_indirect_dma source(%arg10 : memref<128x64xbf16, #tpu.memory_space<vmem>>) target(%dma_start3A_160 : memref<50048x64xbf16, #tpu.memory_space<vmem_shared>>) offsets(%dma_start3A_157 : memref<128xi32, #tpu.memory_space<vmem>>) semaphore(%run_scoped3A_154 : memref<!tpu.dma_semaphore, #tpu.memory_space<semaphore_mem>>) {add = true}
          %dma_wait3A_161 = arith.constant 0 : i32
          %dma_wait3A_162 = tpu.memref_slice %arg9[%add3A_85, %dma_wait3A_161] : memref<28x128xi32, #tpu.memory_space<vmem>> -> memref<1x128xi32, #tpu.memory_space<vmem>>
          %dma_wait3A_163 = tpu.memref_squeeze %dma_wait3A_162 : memref<1x128xi32, #tpu.memory_space<vmem>> -> memref<128xi32, #tpu.memory_space<vmem>>
          %dma_wait3A_164 = arith.constant 0 : i32
          %dma_wait3A_165 = arith.constant 0 : i32
          %dma_wait3A_166 = tpu.memref_slice %arg14[%dma_wait3A_164, %dma_wait3A_165] : memref<50048x64xbf16, #tpu.memory_space<vmem_shared>> -> memref<50048x64xbf16, #tpu.memory_space<vmem_shared>>
          tpu.wait_indirect_dma semaphore(%run_scoped3A_154 : memref<!tpu.dma_semaphore, #tpu.memory_space<semaphore_mem>>) src(%arg10 : memref<128x64xbf16, #tpu.memory_space<vmem>>) dst(%dma_wait3A_166 : memref<50048x64xbf16, #tpu.memory_space<vmem_shared>>)
          tpu.yield
        }) : () -> ()
        %add3A_92 = arith.constant 4 : i32
        %add3A_93 = arith.addi %add3A_85, %add3A_92 : i32
        %mul3A_94 = arith.constant 128 : i32
        %mul3A_95 = arith.muli %add3A_93, %mul3A_94 : i32
        %dma_start3A_96 = tpu.memref_slice %arg8[%mul3A_95] : memref<3584xi32, #tpu.memory_space<vmem>> -> memref<128xi32, #tpu.memory_space<vmem>>
        %dma_start3A_97 = arith.constant 0 : i32
        %dma_start3A_98 = arith.constant 0 : i32
        %dma_start3A_99 = tpu.memref_slice %arg4[%dma_start3A_97, %dma_start3A_98] : memref<50048x64xbf16, #tpu.memory_space<hbm>> -> memref<50048x64xbf16, #tpu.memory_space<hbm>>
        tpu.enqueue_indirect_dma source(%dma_start3A_99 : memref<50048x64xbf16, #tpu.memory_space<hbm>>) target(%arg10 : memref<128x64xbf16, #tpu.memory_space<vmem>>) offsets(%dma_start3A_96 : memref<128xi32, #tpu.memory_space<vmem>>) semaphore(%arg15 : memref<!tpu.dma_semaphore, #tpu.memory_space<semaphore_mem>>)
        %mul3A_100 = arith.constant 4 : i32
        %mul3A_101 = arith.muli %mul3A_100, %scan3A_81 : i32
        %add3A_102 = arith.constant 1 : i32
        %add3A_103 = arith.addi %mul3A_101, %add3A_102 : i32
        %mul3A_104 = arith.constant 128 : i32
        %mul3A_105 = arith.muli %add3A_103, %mul3A_104 : i32
        %dma_wait3A_106 = tpu.memref_slice %arg8[%mul3A_105] : memref<3584xi32, #tpu.memory_space<vmem>> -> memref<128xi32, #tpu.memory_space<vmem>>
        %dma_wait3A_107 = arith.constant 0 : i32
        %dma_wait3A_108 = arith.constant 0 : i32
        %dma_wait3A_109 = tpu.memref_slice %arg4[%dma_wait3A_107, %dma_wait3A_108] : memref<50048x64xbf16, #tpu.memory_space<hbm>> -> memref<50048x64xbf16, #tpu.memory_space<hbm>>
        tpu.wait_indirect_dma semaphore(%arg16 : memref<!tpu.dma_semaphore, #tpu.memory_space<semaphore_mem>>) src(%dma_wait3A_109 : memref<50048x64xbf16, #tpu.memory_space<hbm>>) dst(%arg11 : memref<128x64xbf16, #tpu.memory_space<vmem>>)
        "tpu.region"() ({
          %run_scoped3A_154 = tpu.sem_alloc : memref<!tpu.dma_semaphore, #tpu.memory_space<semaphore_mem>>
          %dma_start3A_155 = arith.constant 0 : i32
          %dma_start3A_156 = tpu.memref_slice %arg9[%add3A_103, %dma_start3A_155] : memref<28x128xi32, #tpu.memory_space<vmem>> -> memref<1x128xi32, #tpu.memory_space<vmem>>
          %dma_start3A_157 = tpu.memref_squeeze %dma_start3A_156 : memref<1x128xi32, #tpu.memory_space<vmem>> -> memref<128xi32, #tpu.memory_space<vmem>>
          %dma_start3A_158 = arith.constant 0 : i32
          %dma_start3A_159 = arith.constant 0 : i32
          %dma_start3A_160 = tpu.memref_slice %arg14[%dma_start3A_158, %dma_start3A_159] : memref<50048x64xbf16, #tpu.memory_space<vmem_shared>> -> memref<50048x64xbf16, #tpu.memory_space<vmem_shared>>
          tpu.enqueue_indirect_dma source(%arg11 : memref<128x64xbf16, #tpu.memory_space<vmem>>) target(%dma_start3A_160 : memref<50048x64xbf16, #tpu.memory_space<vmem_shared>>) offsets(%dma_start3A_157 : memref<128xi32, #tpu.memory_space<vmem>>) semaphore(%run_scoped3A_154 : memref<!tpu.dma_semaphore, #tpu.memory_space<semaphore_mem>>) {add = true}
          %dma_wait3A_161 = arith.constant 0 : i32
          %dma_wait3A_162 = tpu.memref_slice %arg9[%add3A_103, %dma_wait3A_161] : memref<28x128xi32, #tpu.memory_space<vmem>> -> memref<1x128xi32, #tpu.memory_space<vmem>>
          %dma_wait3A_163 = tpu.memref_squeeze %dma_wait3A_162 : memref<1x128xi32, #tpu.memory_space<vmem>> -> memref<128xi32, #tpu.memory_space<vmem>>
          %dma_wait3A_164 = arith.constant 0 : i32
          %dma_wait3A_165 = arith.constant 0 : i32
          %dma_wait3A_166 = tpu.memref_slice %arg14[%dma_wait3A_164, %dma_wait3A_165] : memref<50048x64xbf16, #tpu.memory_space<vmem_shared>> -> memref<50048x64xbf16, #tpu.memory_space<vmem_shared>>
          tpu.wait_indirect_dma semaphore(%run_scoped3A_154 : memref<!tpu.dma_semaphore, #tpu.memory_space<semaphore_mem>>) src(%arg11 : memref<128x64xbf16, #tpu.memory_space<vmem>>) dst(%dma_wait3A_166 : memref<50048x64xbf16, #tpu.memory_space<vmem_shared>>)
          tpu.yield
        }) : () -> ()
        %add3A_110 = arith.constant 4 : i32
        %add3A_111 = arith.addi %add3A_103, %add3A_110 : i32
        %mul3A_112 = arith.constant 128 : i32
        %mul3A_113 = arith.muli %add3A_111, %mul3A_112 : i32
        %dma_start3A_114 = tpu.memref_slice %arg8[%mul3A_113] : memref<3584xi32, #tpu.memory_space<vmem>> -> memref<128xi32, #tpu.memory_space<vmem>>
        %dma_start3A_115 = arith.constant 0 : i32
        %dma_start3A_116 = arith.constant 0 : i32
        %dma_start3A_117 = tpu.memref_slice %arg4[%dma_start3A_115, %dma_start3A_116] : memref<50048x64xbf16, #tpu.memory_space<hbm>> -> memref<50048x64xbf16, #tpu.memory_space<hbm>>
        tpu.enqueue_indirect_dma source(%dma_start3A_117 : memref<50048x64xbf16, #tpu.memory_space<hbm>>) target(%arg11 : memref<128x64xbf16, #tpu.memory_space<vmem>>) offsets(%dma_start3A_114 : memref<128xi32, #tpu.memory_space<vmem>>) semaphore(%arg16 : memref<!tpu.dma_semaphore, #tpu.memory_space<semaphore_mem>>)
        %mul3A_118 = arith.constant 4 : i32
        %mul3A_119 = arith.muli %mul3A_118, %scan3A_81 : i32
        %add3A_120 = arith.constant 2 : i32
        %add3A_121 = arith.addi %mul3A_119, %add3A_120 : i32
        %mul3A_122 = arith.constant 128 : i32
        %mul3A_123 = arith.muli %add3A_121, %mul3A_122 : i32
        %dma_wait3A_124 = tpu.memref_slice %arg8[%mul3A_123] : memref<3584xi32, #tpu.memory_space<vmem>> -> memref<128xi32, #tpu.memory_space<vmem>>
        %dma_wait3A_125 = arith.constant 0 : i32
        %dma_wait3A_126 = arith.constant 0 : i32
        %dma_wait3A_127 = tpu.memref_slice %arg4[%dma_wait3A_125, %dma_wait3A_126] : memref<50048x64xbf16, #tpu.memory_space<hbm>> -> memref<50048x64xbf16, #tpu.memory_space<hbm>>
        tpu.wait_indirect_dma semaphore(%arg17 : memref<!tpu.dma_semaphore, #tpu.memory_space<semaphore_mem>>) src(%dma_wait3A_127 : memref<50048x64xbf16, #tpu.memory_space<hbm>>) dst(%arg12 : memref<128x64xbf16, #tpu.memory_space<vmem>>)
        "tpu.region"() ({
          %run_scoped3A_154 = tpu.sem_alloc : memref<!tpu.dma_semaphore, #tpu.memory_space<semaphore_mem>>
          %dma_start3A_155 = arith.constant 0 : i32
          %dma_start3A_156 = tpu.memref_slice %arg9[%add3A_121, %dma_start3A_155] : memref<28x128xi32, #tpu.memory_space<vmem>> -> memref<1x128xi32, #tpu.memory_space<vmem>>
          %dma_start3A_157 = tpu.memref_squeeze %dma_start3A_156 : memref<1x128xi32, #tpu.memory_space<vmem>> -> memref<128xi32, #tpu.memory_space<vmem>>
          %dma_start3A_158 = arith.constant 0 : i32
          %dma_start3A_159 = arith.constant 0 : i32
          %dma_start3A_160 = tpu.memref_slice %arg14[%dma_start3A_158, %dma_start3A_159] : memref<50048x64xbf16, #tpu.memory_space<vmem_shared>> -> memref<50048x64xbf16, #tpu.memory_space<vmem_shared>>
          tpu.enqueue_indirect_dma source(%arg12 : memref<128x64xbf16, #tpu.memory_space<vmem>>) target(%dma_start3A_160 : memref<50048x64xbf16, #tpu.memory_space<vmem_shared>>) offsets(%dma_start3A_157 : memref<128xi32, #tpu.memory_space<vmem>>) semaphore(%run_scoped3A_154 : memref<!tpu.dma_semaphore, #tpu.memory_space<semaphore_mem>>) {add = true}
          %dma_wait3A_161 = arith.constant 0 : i32
          %dma_wait3A_162 = tpu.memref_slice %arg9[%add3A_121, %dma_wait3A_161] : memref<28x128xi32, #tpu.memory_space<vmem>> -> memref<1x128xi32, #tpu.memory_space<vmem>>
          %dma_wait3A_163 = tpu.memref_squeeze %dma_wait3A_162 : memref<1x128xi32, #tpu.memory_space<vmem>> -> memref<128xi32, #tpu.memory_space<vmem>>
          %dma_wait3A_164 = arith.constant 0 : i32
          %dma_wait3A_165 = arith.constant 0 : i32
          %dma_wait3A_166 = tpu.memref_slice %arg14[%dma_wait3A_164, %dma_wait3A_165] : memref<50048x64xbf16, #tpu.memory_space<vmem_shared>> -> memref<50048x64xbf16, #tpu.memory_space<vmem_shared>>
          tpu.wait_indirect_dma semaphore(%run_scoped3A_154 : memref<!tpu.dma_semaphore, #tpu.memory_space<semaphore_mem>>) src(%arg12 : memref<128x64xbf16, #tpu.memory_space<vmem>>) dst(%dma_wait3A_166 : memref<50048x64xbf16, #tpu.memory_space<vmem_shared>>)
          tpu.yield
        }) : () -> ()
        %add3A_128 = arith.constant 4 : i32
        %add3A_129 = arith.addi %add3A_121, %add3A_128 : i32
        %mul3A_130 = arith.constant 128 : i32
        %mul3A_131 = arith.muli %add3A_129, %mul3A_130 : i32
        %dma_start3A_132 = tpu.memref_slice %arg8[%mul3A_131] : memref<3584xi32, #tpu.memory_space<vmem>> -> memref<128xi32, #tpu.memory_space<vmem>>
        %dma_start3A_133 = arith.constant 0 : i32
        %dma_start3A_134 = arith.constant 0 : i32
        %dma_start3A_135 = tpu.memref_slice %arg4[%dma_start3A_133, %dma_start3A_134] : memref<50048x64xbf16, #tpu.memory_space<hbm>> -> memref<50048x64xbf16, #tpu.memory_space<hbm>>
        tpu.enqueue_indirect_dma source(%dma_start3A_135 : memref<50048x64xbf16, #tpu.memory_space<hbm>>) target(%arg12 : memref<128x64xbf16, #tpu.memory_space<vmem>>) offsets(%dma_start3A_132 : memref<128xi32, #tpu.memory_space<vmem>>) semaphore(%arg17 : memref<!tpu.dma_semaphore, #tpu.memory_space<semaphore_mem>>)
        %mul3A_136 = arith.constant 4 : i32
        %mul3A_137 = arith.muli %mul3A_136, %scan3A_81 : i32
        %add3A_138 = arith.constant 3 : i32
        %add3A_139 = arith.addi %mul3A_137, %add3A_138 : i32
        %mul3A_140 = arith.constant 128 : i32
        %mul3A_141 = arith.muli %add3A_139, %mul3A_140 : i32
        %dma_wait3A_142 = tpu.memref_slice %arg8[%mul3A_141] : memref<3584xi32, #tpu.memory_space<vmem>> -> memref<128xi32, #tpu.memory_space<vmem>>
        %dma_wait3A_143 = arith.constant 0 : i32
        %dma_wait3A_144 = arith.constant 0 : i32
        %dma_wait3A_145 = tpu.memref_slice %arg4[%dma_wait3A_143, %dma_wait3A_144] : memref<50048x64xbf16, #tpu.memory_space<hbm>> -> memref<50048x64xbf16, #tpu.memory_space<hbm>>
        tpu.wait_indirect_dma semaphore(%arg18 : memref<!tpu.dma_semaphore, #tpu.memory_space<semaphore_mem>>) src(%dma_wait3A_145 : memref<50048x64xbf16, #tpu.memory_space<hbm>>) dst(%arg13 : memref<128x64xbf16, #tpu.memory_space<vmem>>)
        "tpu.region"() ({
          %run_scoped3A_154 = tpu.sem_alloc : memref<!tpu.dma_semaphore, #tpu.memory_space<semaphore_mem>>
          %dma_start3A_155 = arith.constant 0 : i32
          %dma_start3A_156 = tpu.memref_slice %arg9[%add3A_139, %dma_start3A_155] : memref<28x128xi32, #tpu.memory_space<vmem>> -> memref<1x128xi32, #tpu.memory_space<vmem>>
          %dma_start3A_157 = tpu.memref_squeeze %dma_start3A_156 : memref<1x128xi32, #tpu.memory_space<vmem>> -> memref<128xi32, #tpu.memory_space<vmem>>
          %dma_start3A_158 = arith.constant 0 : i32
          %dma_start3A_159 = arith.constant 0 : i32
          %dma_start3A_160 = tpu.memref_slice %arg14[%dma_start3A_158, %dma_start3A_159] : memref<50048x64xbf16, #tpu.memory_space<vmem_shared>> -> memref<50048x64xbf16, #tpu.memory_space<vmem_shared>>
          tpu.enqueue_indirect_dma source(%arg13 : memref<128x64xbf16, #tpu.memory_space<vmem>>) target(%dma_start3A_160 : memref<50048x64xbf16, #tpu.memory_space<vmem_shared>>) offsets(%dma_start3A_157 : memref<128xi32, #tpu.memory_space<vmem>>) semaphore(%run_scoped3A_154 : memref<!tpu.dma_semaphore, #tpu.memory_space<semaphore_mem>>) {add = true}
          %dma_wait3A_161 = arith.constant 0 : i32
          %dma_wait3A_162 = tpu.memref_slice %arg9[%add3A_139, %dma_wait3A_161] : memref<28x128xi32, #tpu.memory_space<vmem>> -> memref<1x128xi32, #tpu.memory_space<vmem>>
          %dma_wait3A_163 = tpu.memref_squeeze %dma_wait3A_162 : memref<1x128xi32, #tpu.memory_space<vmem>> -> memref<128xi32, #tpu.memory_space<vmem>>
          %dma_wait3A_164 = arith.constant 0 : i32
          %dma_wait3A_165 = arith.constant 0 : i32
          %dma_wait3A_166 = tpu.memref_slice %arg14[%dma_wait3A_164, %dma_wait3A_165] : memref<50048x64xbf16, #tpu.memory_space<vmem_shared>> -> memref<50048x64xbf16, #tpu.memory_space<vmem_shared>>
          tpu.wait_indirect_dma semaphore(%run_scoped3A_154 : memref<!tpu.dma_semaphore, #tpu.memory_space<semaphore_mem>>) src(%arg13 : memref<128x64xbf16, #tpu.memory_space<vmem>>) dst(%dma_wait3A_166 : memref<50048x64xbf16, #tpu.memory_space<vmem_shared>>)
          tpu.yield
        }) : () -> ()
        %add3A_146 = arith.constant 4 : i32
        %add3A_147 = arith.addi %add3A_139, %add3A_146 : i32
        %mul3A_148 = arith.constant 128 : i32
        %mul3A_149 = arith.muli %add3A_147, %mul3A_148 : i32
        %dma_start3A_150 = tpu.memref_slice %arg8[%mul3A_149] : memref<3584xi32, #tpu.memory_space<vmem>> -> memref<128xi32, #tpu.memory_space<vmem>>
        %dma_start3A_151 = arith.constant 0 : i32
        %dma_start3A_152 = arith.constant 0 : i32
        %dma_start3A_153 = tpu.memref_slice %arg4[%dma_start3A_151, %dma_start3A_152] : memref<50048x64xbf16, #tpu.memory_space<hbm>> -> memref<50048x64xbf16, #tpu.memory_space<hbm>>
        tpu.enqueue_indirect_dma source(%dma_start3A_153 : memref<50048x64xbf16, #tpu.memory_space<hbm>>) target(%arg13 : memref<128x64xbf16, #tpu.memory_space<vmem>>) offsets(%dma_start3A_150 : memref<128xi32, #tpu.memory_space<vmem>>) semaphore(%arg18 : memref<!tpu.dma_semaphore, #tpu.memory_space<semaphore_mem>>)
      }
      %scan3A_58 = arith.constant 6 : i32
      %dma_wait3A = arith.constant 3072 : i32
      %dma_wait3A_59 = tpu.memref_slice %arg8[%dma_wait3A] : memref<3584xi32, #tpu.memory_space<vmem>> -> memref<128xi32, #tpu.memory_space<vmem>>
      %dma_wait3A_60 = arith.constant 0 : i32
      %dma_wait3A_61 = arith.constant 0 : i32
      %dma_wait3A_62 = tpu.memref_slice %arg4[%dma_wait3A_60, %dma_wait3A_61] : memref<50048x64xbf16, #tpu.memory_space<hbm>> -> memref<50048x64xbf16, #tpu.memory_space<hbm>>
      tpu.wait_indirect_dma semaphore(%arg15 : memref<!tpu.dma_semaphore, #tpu.memory_space<semaphore_mem>>) src(%dma_wait3A_62 : memref<50048x64xbf16, #tpu.memory_space<hbm>>) dst(%arg10 : memref<128x64xbf16, #tpu.memory_space<vmem>>)
      %run_scoped3A = arith.constant 24 : i32
      "tpu.region"() ({
        %run_scoped3A_81 = tpu.sem_alloc : memref<!tpu.dma_semaphore, #tpu.memory_space<semaphore_mem>>
        %dma_start3A_82 = arith.constant 0 : i32
        %dma_start3A_83 = tpu.memref_slice %arg9[%run_scoped3A, %dma_start3A_82] : memref<28x128xi32, #tpu.memory_space<vmem>> -> memref<1x128xi32, #tpu.memory_space<vmem>>
        %dma_start3A_84 = tpu.memref_squeeze %dma_start3A_83 : memref<1x128xi32, #tpu.memory_space<vmem>> -> memref<128xi32, #tpu.memory_space<vmem>>
        %dma_start3A_85 = arith.constant 0 : i32
        %dma_start3A_86 = arith.constant 0 : i32
        %dma_start3A_87 = tpu.memref_slice %arg14[%dma_start3A_85, %dma_start3A_86] : memref<50048x64xbf16, #tpu.memory_space<vmem_shared>> -> memref<50048x64xbf16, #tpu.memory_space<vmem_shared>>
        tpu.enqueue_indirect_dma source(%arg10 : memref<128x64xbf16, #tpu.memory_space<vmem>>) target(%dma_start3A_87 : memref<50048x64xbf16, #tpu.memory_space<vmem_shared>>) offsets(%dma_start3A_84 : memref<128xi32, #tpu.memory_space<vmem>>) semaphore(%run_scoped3A_81 : memref<!tpu.dma_semaphore, #tpu.memory_space<semaphore_mem>>) {add = true}
        %dma_wait3A_88 = arith.constant 0 : i32
        %dma_wait3A_89 = tpu.memref_slice %arg9[%run_scoped3A, %dma_wait3A_88] : memref<28x128xi32, #tpu.memory_space<vmem>> -> memref<1x128xi32, #tpu.memory_space<vmem>>
        %dma_wait3A_90 = tpu.memref_squeeze %dma_wait3A_89 : memref<1x128xi32, #tpu.memory_space<vmem>> -> memref<128xi32, #tpu.memory_space<vmem>>
        %dma_wait3A_91 = arith.constant 0 : i32
        %dma_wait3A_92 = arith.constant 0 : i32
        %dma_wait3A_93 = tpu.memref_slice %arg14[%dma_wait3A_91, %dma_wait3A_92] : memref<50048x64xbf16, #tpu.memory_space<vmem_shared>> -> memref<50048x64xbf16, #tpu.memory_space<vmem_shared>>
        tpu.wait_indirect_dma semaphore(%run_scoped3A_81 : memref<!tpu.dma_semaphore, #tpu.memory_space<semaphore_mem>>) src(%arg10 : memref<128x64xbf16, #tpu.memory_space<vmem>>) dst(%dma_wait3A_93 : memref<50048x64xbf16, #tpu.memory_space<vmem_shared>>)
        tpu.yield
      }) : () -> ()
      %dma_wait3A_63 = arith.constant 3200 : i32
      %dma_wait3A_64 = tpu.memref_slice %arg8[%dma_wait3A_63] : memref<3584xi32, #tpu.memory_space<vmem>> -> memref<128xi32, #tpu.memory_space<vmem>>
      %dma_wait3A_65 = arith.constant 0 : i32
      %dma_wait3A_66 = arith.constant 0 : i32
      %dma_wait3A_67 = tpu.memref_slice %arg4[%dma_wait3A_65, %dma_wait3A_66] : memref<50048x64xbf16, #tpu.memory_space<hbm>> -> memref<50048x64xbf16, #tpu.memory_space<hbm>>
      tpu.wait_indirect_dma semaphore(%arg16 : memref<!tpu.dma_semaphore, #tpu.memory_space<semaphore_mem>>) src(%dma_wait3A_67 : memref<50048x64xbf16, #tpu.memory_space<hbm>>) dst(%arg11 : memref<128x64xbf16, #tpu.memory_space<vmem>>)
      %run_scoped3A_68 = arith.constant 25 : i32
      "tpu.region"() ({
        %run_scoped3A_81 = tpu.sem_alloc : memref<!tpu.dma_semaphore, #tpu.memory_space<semaphore_mem>>
        %dma_start3A_82 = arith.constant 0 : i32
        %dma_start3A_83 = tpu.memref_slice %arg9[%run_scoped3A_68, %dma_start3A_82] : memref<28x128xi32, #tpu.memory_space<vmem>> -> memref<1x128xi32, #tpu.memory_space<vmem>>
        %dma_start3A_84 = tpu.memref_squeeze %dma_start3A_83 : memref<1x128xi32, #tpu.memory_space<vmem>> -> memref<128xi32, #tpu.memory_space<vmem>>
        %dma_start3A_85 = arith.constant 0 : i32
        %dma_start3A_86 = arith.constant 0 : i32
        %dma_start3A_87 = tpu.memref_slice %arg14[%dma_start3A_85, %dma_start3A_86] : memref<50048x64xbf16, #tpu.memory_space<vmem_shared>> -> memref<50048x64xbf16, #tpu.memory_space<vmem_shared>>
        tpu.enqueue_indirect_dma source(%arg11 : memref<128x64xbf16, #tpu.memory_space<vmem>>) target(%dma_start3A_87 : memref<50048x64xbf16, #tpu.memory_space<vmem_shared>>) offsets(%dma_start3A_84 : memref<128xi32, #tpu.memory_space<vmem>>) semaphore(%run_scoped3A_81 : memref<!tpu.dma_semaphore, #tpu.memory_space<semaphore_mem>>) {add = true}
        %dma_wait3A_88 = arith.constant 0 : i32
        %dma_wait3A_89 = tpu.memref_slice %arg9[%run_scoped3A_68, %dma_wait3A_88] : memref<28x128xi32, #tpu.memory_space<vmem>> -> memref<1x128xi32, #tpu.memory_space<vmem>>
        %dma_wait3A_90 = tpu.memref_squeeze %dma_wait3A_89 : memref<1x128xi32, #tpu.memory_space<vmem>> -> memref<128xi32, #tpu.memory_space<vmem>>
        %dma_wait3A_91 = arith.constant 0 : i32
        %dma_wait3A_92 = arith.constant 0 : i32
        %dma_wait3A_93 = tpu.memref_slice %arg14[%dma_wait3A_91, %dma_wait3A_92] : memref<50048x64xbf16, #tpu.memory_space<vmem_shared>> -> memref<50048x64xbf16, #tpu.memory_space<vmem_shared>>
        tpu.wait_indirect_dma semaphore(%run_scoped3A_81 : memref<!tpu.dma_semaphore, #tpu.memory_space<semaphore_mem>>) src(%arg11 : memref<128x64xbf16, #tpu.memory_space<vmem>>) dst(%dma_wait3A_93 : memref<50048x64xbf16, #tpu.memory_space<vmem_shared>>)
        tpu.yield
      }) : () -> ()
      %dma_wait3A_69 = arith.constant 3328 : i32
      %dma_wait3A_70 = tpu.memref_slice %arg8[%dma_wait3A_69] : memref<3584xi32, #tpu.memory_space<vmem>> -> memref<128xi32, #tpu.memory_space<vmem>>
      %dma_wait3A_71 = arith.constant 0 : i32
      %dma_wait3A_72 = arith.constant 0 : i32
      %dma_wait3A_73 = tpu.memref_slice %arg4[%dma_wait3A_71, %dma_wait3A_72] : memref<50048x64xbf16, #tpu.memory_space<hbm>> -> memref<50048x64xbf16, #tpu.memory_space<hbm>>
      tpu.wait_indirect_dma semaphore(%arg17 : memref<!tpu.dma_semaphore, #tpu.memory_space<semaphore_mem>>) src(%dma_wait3A_73 : memref<50048x64xbf16, #tpu.memory_space<hbm>>) dst(%arg12 : memref<128x64xbf16, #tpu.memory_space<vmem>>)
      %run_scoped3A_74 = arith.constant 26 : i32
      "tpu.region"() ({
        %run_scoped3A_81 = tpu.sem_alloc : memref<!tpu.dma_semaphore, #tpu.memory_space<semaphore_mem>>
        %dma_start3A_82 = arith.constant 0 : i32
        %dma_start3A_83 = tpu.memref_slice %arg9[%run_scoped3A_74, %dma_start3A_82] : memref<28x128xi32, #tpu.memory_space<vmem>> -> memref<1x128xi32, #tpu.memory_space<vmem>>
        %dma_start3A_84 = tpu.memref_squeeze %dma_start3A_83 : memref<1x128xi32, #tpu.memory_space<vmem>> -> memref<128xi32, #tpu.memory_space<vmem>>
        %dma_start3A_85 = arith.constant 0 : i32
        %dma_start3A_86 = arith.constant 0 : i32
        %dma_start3A_87 = tpu.memref_slice %arg14[%dma_start3A_85, %dma_start3A_86] : memref<50048x64xbf16, #tpu.memory_space<vmem_shared>> -> memref<50048x64xbf16, #tpu.memory_space<vmem_shared>>
        tpu.enqueue_indirect_dma source(%arg12 : memref<128x64xbf16, #tpu.memory_space<vmem>>) target(%dma_start3A_87 : memref<50048x64xbf16, #tpu.memory_space<vmem_shared>>) offsets(%dma_start3A_84 : memref<128xi32, #tpu.memory_space<vmem>>) semaphore(%run_scoped3A_81 : memref<!tpu.dma_semaphore, #tpu.memory_space<semaphore_mem>>) {add = true}
        %dma_wait3A_88 = arith.constant 0 : i32
        %dma_wait3A_89 = tpu.memref_slice %arg9[%run_scoped3A_74, %dma_wait3A_88] : memref<28x128xi32, #tpu.memory_space<vmem>> -> memref<1x128xi32, #tpu.memory_space<vmem>>
        %dma_wait3A_90 = tpu.memref_squeeze %dma_wait3A_89 : memref<1x128xi32, #tpu.memory_space<vmem>> -> memref<128xi32, #tpu.memory_space<vmem>>
        %dma_wait3A_91 = arith.constant 0 : i32
        %dma_wait3A_92 = arith.constant 0 : i32
        %dma_wait3A_93 = tpu.memref_slice %arg14[%dma_wait3A_91, %dma_wait3A_92] : memref<50048x64xbf16, #tpu.memory_space<vmem_shared>> -> memref<50048x64xbf16, #tpu.memory_space<vmem_shared>>
        tpu.wait_indirect_dma semaphore(%run_scoped3A_81 : memref<!tpu.dma_semaphore, #tpu.memory_space<semaphore_mem>>) src(%arg12 : memref<128x64xbf16, #tpu.memory_space<vmem>>) dst(%dma_wait3A_93 : memref<50048x64xbf16, #tpu.memory_space<vmem_shared>>)
        tpu.yield
      }) : () -> ()
      %dma_wait3A_75 = arith.constant 3456 : i32
      %dma_wait3A_76 = tpu.memref_slice %arg8[%dma_wait3A_75] : memref<3584xi32, #tpu.memory_space<vmem>> -> memref<128xi32, #tpu.memory_space<vmem>>
      %dma_wait3A_77 = arith.constant 0 : i32
      %dma_wait3A_78 = arith.constant 0 : i32
      %dma_wait3A_79 = tpu.memref_slice %arg4[%dma_wait3A_77, %dma_wait3A_78] : memref<50048x64xbf16, #tpu.memory_space<hbm>> -> memref<50048x64xbf16, #tpu.memory_space<hbm>>
      tpu.wait_indirect_dma semaphore(%arg18 : memref<!tpu.dma_semaphore, #tpu.memory_space<semaphore_mem>>) src(%dma_wait3A_79 : memref<50048x64xbf16, #tpu.memory_space<hbm>>) dst(%arg13 : memref<128x64xbf16, #tpu.memory_space<vmem>>)
      %run_scoped3A_80 = arith.constant 27 : i32
      "tpu.region"() ({
        %run_scoped3A_81 = tpu.sem_alloc : memref<!tpu.dma_semaphore, #tpu.memory_space<semaphore_mem>>
        %dma_start3A_82 = arith.constant 0 : i32
        %dma_start3A_83 = tpu.memref_slice %arg9[%run_scoped3A_80, %dma_start3A_82] : memref<28x128xi32, #tpu.memory_space<vmem>> -> memref<1x128xi32, #tpu.memory_space<vmem>>
        %dma_start3A_84 = tpu.memref_squeeze %dma_start3A_83 : memref<1x128xi32, #tpu.memory_space<vmem>> -> memref<128xi32, #tpu.memory_space<vmem>>
        %dma_start3A_85 = arith.constant 0 : i32
        %dma_start3A_86 = arith.constant 0 : i32
        %dma_start3A_87 = tpu.memref_slice %arg14[%dma_start3A_85, %dma_start3A_86] : memref<50048x64xbf16, #tpu.memory_space<vmem_shared>> -> memref<50048x64xbf16, #tpu.memory_space<vmem_shared>>
        tpu.enqueue_indirect_dma source(%arg13 : memref<128x64xbf16, #tpu.memory_space<vmem>>) target(%dma_start3A_87 : memref<50048x64xbf16, #tpu.memory_space<vmem_shared>>) offsets(%dma_start3A_84 : memref<128xi32, #tpu.memory_space<vmem>>) semaphore(%run_scoped3A_81 : memref<!tpu.dma_semaphore, #tpu.memory_space<semaphore_mem>>) {add = true}
        %dma_wait3A_88 = arith.constant 0 : i32
        %dma_wait3A_89 = tpu.memref_slice %arg9[%run_scoped3A_80, %dma_wait3A_88] : memref<28x128xi32, #tpu.memory_space<vmem>> -> memref<1x128xi32, #tpu.memory_space<vmem>>
        %dma_wait3A_90 = tpu.memref_squeeze %dma_wait3A_89 : memref<1x128xi32, #tpu.memory_space<vmem>> -> memref<128xi32, #tpu.memory_space<vmem>>
        %dma_wait3A_91 = arith.constant 0 : i32
        %dma_wait3A_92 = arith.constant 0 : i32
        %dma_wait3A_93 = tpu.memref_slice %arg14[%dma_wait3A_91, %dma_wait3A_92] : memref<50048x64xbf16, #tpu.memory_space<vmem_shared>> -> memref<50048x64xbf16, #tpu.memory_space<vmem_shared>>
        tpu.wait_indirect_dma semaphore(%run_scoped3A_81 : memref<!tpu.dma_semaphore, #tpu.memory_space<semaphore_mem>>) src(%arg13 : memref<128x64xbf16, #tpu.memory_space<vmem>>) dst(%dma_wait3A_93 : memref<50048x64xbf16, #tpu.memory_space<vmem_shared>>)
        tpu.yield
      }) : () -> ()
    }
    %scan3A_7 = arith.constant 7 : i32
    %barrier3A_8 = arith.constant 0 : index
    tpu.barrier barrier_id(%barrier3A_8)
    %mul3A_9 = arith.constant 3128 : i32
    %mul3A_10 = arith.muli %arg1, %mul3A_9 : i32
    %mul3A_11 = arith.constant 3128 : i32
    %mul3A_12 = arith.muli %arg1, %mul3A_11 : i32
    "tpu.region"() ({
      %run_scoped3A = tpu.sem_alloc : memref<!tpu.dma_semaphore, #tpu.memory_space<semaphore_mem>>
      %dma_start3A = arith.constant 0 : i32
      %dma_start3A_27 = tpu.memref_slice %arg7[%arg0, %mul3A_12, %dma_start3A] : memref<2x50048x128xbf16, #tpu.memory_space<hbm>> -> memref<1x3128x64xbf16, #tpu.memory_space<hbm>>
      %dma_start3A_28 = tpu.memref_squeeze %dma_start3A_27 : memref<1x3128x64xbf16, #tpu.memory_space<hbm>> -> memref<3128x64xbf16, #tpu.memory_space<hbm>>
      %dma_start3A_29 = arith.constant 0 : i32
      %dma_start3A_30 = tpu.memref_slice %arg14[%mul3A_10, %dma_start3A_29] : memref<50048x64xbf16, #tpu.memory_space<vmem_shared>> -> memref<3128x64xbf16, #tpu.memory_space<vmem_shared>>
      tpu.enqueue_dma source(%dma_start3A_30 : memref<3128x64xbf16, #tpu.memory_space<vmem_shared>>) target(%dma_start3A_28 : memref<3128x64xbf16, #tpu.memory_space<hbm>>) target_semaphore(%run_scoped3A : memref<!tpu.dma_semaphore, #tpu.memory_space<semaphore_mem>>)
      %dma_wait3A = arith.constant 0 : i32
      %dma_wait3A_31 = tpu.memref_slice %arg7[%arg0, %mul3A_12, %dma_wait3A] : memref<2x50048x128xbf16, #tpu.memory_space<hbm>> -> memref<1x3128x64xbf16, #tpu.memory_space<hbm>>
      %dma_wait3A_32 = tpu.memref_squeeze %dma_wait3A_31 : memref<1x3128x64xbf16, #tpu.memory_space<hbm>> -> memref<3128x64xbf16, #tpu.memory_space<hbm>>
      %dma_wait3A_33 = arith.constant 0 : i32
      %dma_wait3A_34 = tpu.memref_slice %arg14[%mul3A_10, %dma_wait3A_33] : memref<50048x64xbf16, #tpu.memory_space<vmem_shared>> -> memref<3128x64xbf16, #tpu.memory_space<vmem_shared>>
      tpu.wait_dma2 semaphore(%run_scoped3A : memref<!tpu.dma_semaphore, #tpu.memory_space<semaphore_mem>>) src(%dma_wait3A_34 : memref<3128x64xbf16, #tpu.memory_space<vmem_shared>>) dst(%dma_wait3A_32 : memref<3128x64xbf16, #tpu.memory_space<hbm>>)
      tpu.yield
    }) : () -> ()
    %mul3A_13 = arith.constant 3128 : i32
    %mul3A_14 = arith.muli %arg1, %mul3A_13 : i32
    "tpu.region"() ({
      %run_scoped3A = tpu.sem_alloc : memref<!tpu.dma_semaphore, #tpu.memory_space<semaphore_mem>>
      %dma_start3A = arith.constant 0 : i32
      %dma_start3A_27 = tpu.memref_slice %arg14[%mul3A_14, %dma_start3A] : memref<50048x64xbf16, #tpu.memory_space<vmem_shared>> -> memref<3128x64xbf16, #tpu.memory_space<vmem_shared>>
      tpu.enqueue_dma source(%arg6 : memref<3128x64xbf16, #tpu.memory_space<hbm>>) target(%dma_start3A_27 : memref<3128x64xbf16, #tpu.memory_space<vmem_shared>>) target_semaphore(%run_scoped3A : memref<!tpu.dma_semaphore, #tpu.memory_space<semaphore_mem>>)
      %dma_wait3A = arith.constant 0 : i32
      %dma_wait3A_28 = tpu.memref_slice %arg14[%mul3A_14, %dma_wait3A] : memref<50048x64xbf16, #tpu.memory_space<vmem_shared>> -> memref<3128x64xbf16, #tpu.memory_space<vmem_shared>>
      tpu.wait_dma2 semaphore(%run_scoped3A : memref<!tpu.dma_semaphore, #tpu.memory_space<semaphore_mem>>) src(%arg6 : memref<3128x64xbf16, #tpu.memory_space<hbm>>) dst(%dma_wait3A_28 : memref<3128x64xbf16, #tpu.memory_space<vmem_shared>>)
      tpu.yield
    }) : () -> ()
    %barrier3A_15 = arith.constant 0 : index
    tpu.barrier barrier_id(%barrier3A_15)
    %scan3A_16 = arith.constant 0 : i32
    %scan3A_17 = arith.constant 0 : i32
    %scan3A_18 = arith.constant 7 : i32
    %scan3A_19 = arith.addi %scan3A_17, %scan3A_18 : i32
    %scan3A_20 = arith.constant 1 : i32
    scf.for %scan3A_27 = %scan3A_17 to %scan3A_19 step %scan3A_20  : i32 {
      %mul3A_28 = arith.constant 25088 : i32
      %mul3A_29 = arith.muli %add3A, %mul3A_28 : i32
      %mul3A_30 = arith.constant 3584 : i32
      %mul3A_31 = arith.muli %scan3A_27, %mul3A_30 : i32
      %add3A_32 = arith.addi %mul3A_29, %mul3A_31 : i32
      "tpu.region"() ({
        %run_scoped3A_81 = tpu.sem_alloc : memref<!tpu.dma_semaphore, #tpu.memory_space<semaphore_mem>>
        %dma_start3A_82 = tpu.memref_slice %arg2[%add3A_32] : memref<802816xi32, #tpu.memory_space<hbm>> -> memref<3584xi32, #tpu.memory_space<hbm>>
        %dma_start3A_83 = tpu.memref_slice %arg2[%add3A_32] : memref<802816xi32, #tpu.memory_space<hbm>> -> memref<3584xi32, #tpu.memory_space<hbm>>
        tpu.enqueue_dma source(%dma_start3A_83 : memref<3584xi32, #tpu.memory_space<hbm>>) target(%arg8 : memref<3584xi32, #tpu.memory_space<vmem>>) target_semaphore(%run_scoped3A_81 : memref<!tpu.dma_semaphore, #tpu.memory_space<semaphore_mem>>)
        %dma_wait3A_84 = tpu.memref_slice %arg2[%add3A_32] : memref<802816xi32, #tpu.memory_space<hbm>> -> memref<3584xi32, #tpu.memory_space<hbm>>
        %dma_wait3A_85 = tpu.memref_slice %arg2[%add3A_32] : memref<802816xi32, #tpu.memory_space<hbm>> -> memref<3584xi32, #tpu.memory_space<hbm>>
        tpu.wait_dma2 semaphore(%run_scoped3A_81 : memref<!tpu.dma_semaphore, #tpu.memory_space<semaphore_mem>>) src(%dma_wait3A_85 : memref<3584xi32, #tpu.memory_space<hbm>>) dst(%arg8 : memref<3584xi32, #tpu.memory_space<vmem>>)
        tpu.yield
      }) : () -> ()
      %mul3A_33 = arith.constant 28 : i32
      %mul3A_34 = arith.muli %scan3A_27, %mul3A_33 : i32
      "tpu.region"() ({
        %run_scoped3A_81 = tpu.sem_alloc : memref<!tpu.dma_semaphore, #tpu.memory_space<semaphore_mem>>
        %dma_start3A_82 = arith.constant 0 : i32
        %dma_start3A_83 = arith.constant 0 : i32
        %dma_start3A_84 = tpu.memref_slice %arg3[%add3A, %dma_start3A_82, %dma_start3A_83] : memref<32x196x128xi32, #tpu.memory_space<hbm>> -> memref<1x196x128xi32, #tpu.memory_space<hbm>>
        %dma_start3A_85 = tpu.memref_squeeze %dma_start3A_84 : memref<1x196x128xi32, #tpu.memory_space<hbm>> -> memref<196x128xi32, #tpu.memory_space<hbm>>
        %dma_start3A_86 = arith.constant 0 : i32
        %dma_start3A_87 = tpu.memref_slice %dma_start3A_85[%mul3A_34, %dma_start3A_86] : memref<196x128xi32, #tpu.memory_space<hbm>> -> memref<28x128xi32, #tpu.memory_space<hbm>>
        %dma_start3A_88 = arith.constant 0 : i32
        %dma_start3A_89 = arith.constant 0 : i32
        %dma_start3A_90 = tpu.memref_slice %arg3[%add3A, %dma_start3A_88, %dma_start3A_89] : memref<32x196x128xi32, #tpu.memory_space<hbm>> -> memref<1x196x128xi32, #tpu.memory_space<hbm>>
        %dma_start3A_91 = tpu.memref_squeeze %dma_start3A_90 : memref<1x196x128xi32, #tpu.memory_space<hbm>> -> memref<196x128xi32, #tpu.memory_space<hbm>>
        %dma_start3A_92 = arith.constant 0 : i32
        %dma_start3A_93 = tpu.memref_slice %dma_start3A_91[%mul3A_34, %dma_start3A_92] : memref<196x128xi32, #tpu.memory_space<hbm>> -> memref<28x128xi32, #tpu.memory_space<hbm>>
        tpu.enqueue_dma source(%dma_start3A_93 : memref<28x128xi32, #tpu.memory_space<hbm>>) target(%arg9 : memref<28x128xi32, #tpu.memory_space<vmem>>) target_semaphore(%run_scoped3A_81 : memref<!tpu.dma_semaphore, #tpu.memory_space<semaphore_mem>>)
        %dma_wait3A_94 = arith.constant 0 : i32
        %dma_wait3A_95 = arith.constant 0 : i32
        %dma_wait3A_96 = tpu.memref_slice %arg3[%add3A, %dma_wait3A_94, %dma_wait3A_95] : memref<32x196x128xi32, #tpu.memory_space<hbm>> -> memref<1x196x128xi32, #tpu.memory_space<hbm>>
        %dma_wait3A_97 = tpu.memref_squeeze %dma_wait3A_96 : memref<1x196x128xi32, #tpu.memory_space<hbm>> -> memref<196x128xi32, #tpu.memory_space<hbm>>
        %dma_wait3A_98 = arith.constant 0 : i32
        %dma_wait3A_99 = tpu.memref_slice %dma_wait3A_97[%mul3A_34, %dma_wait3A_98] : memref<196x128xi32, #tpu.memory_space<hbm>> -> memref<28x128xi32, #tpu.memory_space<hbm>>
        %dma_wait3A_100 = arith.constant 0 : i32
        %dma_wait3A_101 = arith.constant 0 : i32
        %dma_wait3A_102 = tpu.memref_slice %arg3[%add3A, %dma_wait3A_100, %dma_wait3A_101] : memref<32x196x128xi32, #tpu.memory_space<hbm>> -> memref<1x196x128xi32, #tpu.memory_space<hbm>>
        %dma_wait3A_103 = tpu.memref_squeeze %dma_wait3A_102 : memref<1x196x128xi32, #tpu.memory_space<hbm>> -> memref<196x128xi32, #tpu.memory_space<hbm>>
        %dma_wait3A_104 = arith.constant 0 : i32
        %dma_wait3A_105 = tpu.memref_slice %dma_wait3A_103[%mul3A_34, %dma_wait3A_104] : memref<196x128xi32, #tpu.memory_space<hbm>> -> memref<28x128xi32, #tpu.memory_space<hbm>>
        tpu.wait_dma2 semaphore(%run_scoped3A_81 : memref<!tpu.dma_semaphore, #tpu.memory_space<semaphore_mem>>) src(%dma_wait3A_105 : memref<28x128xi32, #tpu.memory_space<hbm>>) dst(%arg9 : memref<28x128xi32, #tpu.memory_space<vmem>>)
        tpu.yield
      }) : () -> ()
      %dma_start3A = arith.constant 0 : i32
      %dma_start3A_35 = tpu.memref_slice %arg8[%dma_start3A] : memref<3584xi32, #tpu.memory_space<vmem>> -> memref<128xi32, #tpu.memory_space<vmem>>
      %dma_start3A_36 = arith.constant 0 : i32
      %dma_start3A_37 = arith.constant 0 : i32
      %dma_start3A_38 = tpu.memref_slice %arg5[%dma_start3A_36, %dma_start3A_37] : memref<50048x64xbf16, #tpu.memory_space<hbm>> -> memref<50048x64xbf16, #tpu.memory_space<hbm>>
      tpu.enqueue_indirect_dma source(%dma_start3A_38 : memref<50048x64xbf16, #tpu.memory_space<hbm>>) target(%arg10 : memref<128x64xbf16, #tpu.memory_space<vmem>>) offsets(%dma_start3A_35 : memref<128xi32, #tpu.memory_space<vmem>>) semaphore(%arg15 : memref<!tpu.dma_semaphore, #tpu.memory_space<semaphore_mem>>)
      %dma_start3A_39 = arith.constant 128 : i32
      %dma_start3A_40 = tpu.memref_slice %arg8[%dma_start3A_39] : memref<3584xi32, #tpu.memory_space<vmem>> -> memref<128xi32, #tpu.memory_space<vmem>>
      %dma_start3A_41 = arith.constant 0 : i32
      %dma_start3A_42 = arith.constant 0 : i32
      %dma_start3A_43 = tpu.memref_slice %arg5[%dma_start3A_41, %dma_start3A_42] : memref<50048x64xbf16, #tpu.memory_space<hbm>> -> memref<50048x64xbf16, #tpu.memory_space<hbm>>
      tpu.enqueue_indirect_dma source(%dma_start3A_43 : memref<50048x64xbf16, #tpu.memory_space<hbm>>) target(%arg11 : memref<128x64xbf16, #tpu.memory_space<vmem>>) offsets(%dma_start3A_40 : memref<128xi32, #tpu.memory_space<vmem>>) semaphore(%arg16 : memref<!tpu.dma_semaphore, #tpu.memory_space<semaphore_mem>>)
      %dma_start3A_44 = arith.constant 256 : i32
      %dma_start3A_45 = tpu.memref_slice %arg8[%dma_start3A_44] : memref<3584xi32, #tpu.memory_space<vmem>> -> memref<128xi32, #tpu.memory_space<vmem>>
      %dma_start3A_46 = arith.constant 0 : i32
      %dma_start3A_47 = arith.constant 0 : i32
      %dma_start3A_48 = tpu.memref_slice %arg5[%dma_start3A_46, %dma_start3A_47] : memref<50048x64xbf16, #tpu.memory_space<hbm>> -> memref<50048x64xbf16, #tpu.memory_space<hbm>>
      tpu.enqueue_indirect_dma source(%dma_start3A_48 : memref<50048x64xbf16, #tpu.memory_space<hbm>>) target(%arg12 : memref<128x64xbf16, #tpu.memory_space<vmem>>) offsets(%dma_start3A_45 : memref<128xi32, #tpu.memory_space<vmem>>) semaphore(%arg17 : memref<!tpu.dma_semaphore, #tpu.memory_space<semaphore_mem>>)
      %dma_start3A_49 = arith.constant 384 : i32
      %dma_start3A_50 = tpu.memref_slice %arg8[%dma_start3A_49] : memref<3584xi32, #tpu.memory_space<vmem>> -> memref<128xi32, #tpu.memory_space<vmem>>
      %dma_start3A_51 = arith.constant 0 : i32
      %dma_start3A_52 = arith.constant 0 : i32
      %dma_start3A_53 = tpu.memref_slice %arg5[%dma_start3A_51, %dma_start3A_52] : memref<50048x64xbf16, #tpu.memory_space<hbm>> -> memref<50048x64xbf16, #tpu.memory_space<hbm>>
      tpu.enqueue_indirect_dma source(%dma_start3A_53 : memref<50048x64xbf16, #tpu.memory_space<hbm>>) target(%arg13 : memref<128x64xbf16, #tpu.memory_space<vmem>>) offsets(%dma_start3A_50 : memref<128xi32, #tpu.memory_space<vmem>>) semaphore(%arg18 : memref<!tpu.dma_semaphore, #tpu.memory_space<semaphore_mem>>)
      %scan3A_54 = arith.constant 0 : i32
      %scan3A_55 = arith.constant 6 : i32
      %scan3A_56 = arith.addi %scan3A_54, %scan3A_55 : i32
      %scan3A_57 = arith.constant 1 : i32
      scf.for %scan3A_81 = %scan3A_54 to %scan3A_56 step %scan3A_57  : i32 {
        %mul3A_82 = arith.constant 4 : i32
        %mul3A_83 = arith.muli %mul3A_82, %scan3A_81 : i32
        %add3A_84 = arith.constant 0 : i32
        %add3A_85 = arith.addi %mul3A_83, %add3A_84 : i32
        %mul3A_86 = arith.constant 128 : i32
        %mul3A_87 = arith.muli %add3A_85, %mul3A_86 : i32
        %dma_wait3A_88 = tpu.memref_slice %arg8[%mul3A_87] : memref<3584xi32, #tpu.memory_space<vmem>> -> memref<128xi32, #tpu.memory_space<vmem>>
        %dma_wait3A_89 = arith.constant 0 : i32
        %dma_wait3A_90 = arith.constant 0 : i32
        %dma_wait3A_91 = tpu.memref_slice %arg5[%dma_wait3A_89, %dma_wait3A_90] : memref<50048x64xbf16, #tpu.memory_space<hbm>> -> memref<50048x64xbf16, #tpu.memory_space<hbm>>
        tpu.wait_indirect_dma semaphore(%arg15 : memref<!tpu.dma_semaphore, #tpu.memory_space<semaphore_mem>>) src(%dma_wait3A_91 : memref<50048x64xbf16, #tpu.memory_space<hbm>>) dst(%arg10 : memref<128x64xbf16, #tpu.memory_space<vmem>>)
        "tpu.region"() ({
          %run_scoped3A_154 = tpu.sem_alloc : memref<!tpu.dma_semaphore, #tpu.memory_space<semaphore_mem>>
          %dma_start3A_155 = arith.constant 0 : i32
          %dma_start3A_156 = tpu.memref_slice %arg9[%add3A_85, %dma_start3A_155] : memref<28x128xi32, #tpu.memory_space<vmem>> -> memref<1x128xi32, #tpu.memory_space<vmem>>
          %dma_start3A_157 = tpu.memref_squeeze %dma_start3A_156 : memref<1x128xi32, #tpu.memory_space<vmem>> -> memref<128xi32, #tpu.memory_space<vmem>>
          %dma_start3A_158 = arith.constant 0 : i32
          %dma_start3A_159 = arith.constant 0 : i32
          %dma_start3A_160 = tpu.memref_slice %arg14[%dma_start3A_158, %dma_start3A_159] : memref<50048x64xbf16, #tpu.memory_space<vmem_shared>> -> memref<50048x64xbf16, #tpu.memory_space<vmem_shared>>
          tpu.enqueue_indirect_dma source(%arg10 : memref<128x64xbf16, #tpu.memory_space<vmem>>) target(%dma_start3A_160 : memref<50048x64xbf16, #tpu.memory_space<vmem_shared>>) offsets(%dma_start3A_157 : memref<128xi32, #tpu.memory_space<vmem>>) semaphore(%run_scoped3A_154 : memref<!tpu.dma_semaphore, #tpu.memory_space<semaphore_mem>>) {add = true}
          %dma_wait3A_161 = arith.constant 0 : i32
          %dma_wait3A_162 = tpu.memref_slice %arg9[%add3A_85, %dma_wait3A_161] : memref<28x128xi32, #tpu.memory_space<vmem>> -> memref<1x128xi32, #tpu.memory_space<vmem>>
          %dma_wait3A_163 = tpu.memref_squeeze %dma_wait3A_162 : memref<1x128xi32, #tpu.memory_space<vmem>> -> memref<128xi32, #tpu.memory_space<vmem>>
          %dma_wait3A_164 = arith.constant 0 : i32
          %dma_wait3A_165 = arith.constant 0 : i32
          %dma_wait3A_166 = tpu.memref_slice %arg14[%dma_wait3A_164, %dma_wait3A_165] : memref<50048x64xbf16, #tpu.memory_space<vmem_shared>> -> memref<50048x64xbf16, #tpu.memory_space<vmem_shared>>
          tpu.wait_indirect_dma semaphore(%run_scoped3A_154 : memref<!tpu.dma_semaphore, #tpu.memory_space<semaphore_mem>>) src(%arg10 : memref<128x64xbf16, #tpu.memory_space<vmem>>) dst(%dma_wait3A_166 : memref<50048x64xbf16, #tpu.memory_space<vmem_shared>>)
          tpu.yield
        }) : () -> ()
        %add3A_92 = arith.constant 4 : i32
        %add3A_93 = arith.addi %add3A_85, %add3A_92 : i32
        %mul3A_94 = arith.constant 128 : i32
        %mul3A_95 = arith.muli %add3A_93, %mul3A_94 : i32
        %dma_start3A_96 = tpu.memref_slice %arg8[%mul3A_95] : memref<3584xi32, #tpu.memory_space<vmem>> -> memref<128xi32, #tpu.memory_space<vmem>>
        %dma_start3A_97 = arith.constant 0 : i32
        %dma_start3A_98 = arith.constant 0 : i32
        %dma_start3A_99 = tpu.memref_slice %arg5[%dma_start3A_97, %dma_start3A_98] : memref<50048x64xbf16, #tpu.memory_space<hbm>> -> memref<50048x64xbf16, #tpu.memory_space<hbm>>
        tpu.enqueue_indirect_dma source(%dma_start3A_99 : memref<50048x64xbf16, #tpu.memory_space<hbm>>) target(%arg10 : memref<128x64xbf16, #tpu.memory_space<vmem>>) offsets(%dma_start3A_96 : memref<128xi32, #tpu.memory_space<vmem>>) semaphore(%arg15 : memref<!tpu.dma_semaphore, #tpu.memory_space<semaphore_mem>>)
        %mul3A_100 = arith.constant 4 : i32
        %mul3A_101 = arith.muli %mul3A_100, %scan3A_81 : i32
        %add3A_102 = arith.constant 1 : i32
        %add3A_103 = arith.addi %mul3A_101, %add3A_102 : i32
        %mul3A_104 = arith.constant 128 : i32
        %mul3A_105 = arith.muli %add3A_103, %mul3A_104 : i32
        %dma_wait3A_106 = tpu.memref_slice %arg8[%mul3A_105] : memref<3584xi32, #tpu.memory_space<vmem>> -> memref<128xi32, #tpu.memory_space<vmem>>
        %dma_wait3A_107 = arith.constant 0 : i32
        %dma_wait3A_108 = arith.constant 0 : i32
        %dma_wait3A_109 = tpu.memref_slice %arg5[%dma_wait3A_107, %dma_wait3A_108] : memref<50048x64xbf16, #tpu.memory_space<hbm>> -> memref<50048x64xbf16, #tpu.memory_space<hbm>>
        tpu.wait_indirect_dma semaphore(%arg16 : memref<!tpu.dma_semaphore, #tpu.memory_space<semaphore_mem>>) src(%dma_wait3A_109 : memref<50048x64xbf16, #tpu.memory_space<hbm>>) dst(%arg11 : memref<128x64xbf16, #tpu.memory_space<vmem>>)
        "tpu.region"() ({
          %run_scoped3A_154 = tpu.sem_alloc : memref<!tpu.dma_semaphore, #tpu.memory_space<semaphore_mem>>
          %dma_start3A_155 = arith.constant 0 : i32
          %dma_start3A_156 = tpu.memref_slice %arg9[%add3A_103, %dma_start3A_155] : memref<28x128xi32, #tpu.memory_space<vmem>> -> memref<1x128xi32, #tpu.memory_space<vmem>>
          %dma_start3A_157 = tpu.memref_squeeze %dma_start3A_156 : memref<1x128xi32, #tpu.memory_space<vmem>> -> memref<128xi32, #tpu.memory_space<vmem>>
          %dma_start3A_158 = arith.constant 0 : i32
          %dma_start3A_159 = arith.constant 0 : i32
          %dma_start3A_160 = tpu.memref_slice %arg14[%dma_start3A_158, %dma_start3A_159] : memref<50048x64xbf16, #tpu.memory_space<vmem_shared>> -> memref<50048x64xbf16, #tpu.memory_space<vmem_shared>>
          tpu.enqueue_indirect_dma source(%arg11 : memref<128x64xbf16, #tpu.memory_space<vmem>>) target(%dma_start3A_160 : memref<50048x64xbf16, #tpu.memory_space<vmem_shared>>) offsets(%dma_start3A_157 : memref<128xi32, #tpu.memory_space<vmem>>) semaphore(%run_scoped3A_154 : memref<!tpu.dma_semaphore, #tpu.memory_space<semaphore_mem>>) {add = true}
          %dma_wait3A_161 = arith.constant 0 : i32
          %dma_wait3A_162 = tpu.memref_slice %arg9[%add3A_103, %dma_wait3A_161] : memref<28x128xi32, #tpu.memory_space<vmem>> -> memref<1x128xi32, #tpu.memory_space<vmem>>
          %dma_wait3A_163 = tpu.memref_squeeze %dma_wait3A_162 : memref<1x128xi32, #tpu.memory_space<vmem>> -> memref<128xi32, #tpu.memory_space<vmem>>
          %dma_wait3A_164 = arith.constant 0 : i32
          %dma_wait3A_165 = arith.constant 0 : i32
          %dma_wait3A_166 = tpu.memref_slice %arg14[%dma_wait3A_164, %dma_wait3A_165] : memref<50048x64xbf16, #tpu.memory_space<vmem_shared>> -> memref<50048x64xbf16, #tpu.memory_space<vmem_shared>>
          tpu.wait_indirect_dma semaphore(%run_scoped3A_154 : memref<!tpu.dma_semaphore, #tpu.memory_space<semaphore_mem>>) src(%arg11 : memref<128x64xbf16, #tpu.memory_space<vmem>>) dst(%dma_wait3A_166 : memref<50048x64xbf16, #tpu.memory_space<vmem_shared>>)
          tpu.yield
        }) : () -> ()
        %add3A_110 = arith.constant 4 : i32
        %add3A_111 = arith.addi %add3A_103, %add3A_110 : i32
        %mul3A_112 = arith.constant 128 : i32
        %mul3A_113 = arith.muli %add3A_111, %mul3A_112 : i32
        %dma_start3A_114 = tpu.memref_slice %arg8[%mul3A_113] : memref<3584xi32, #tpu.memory_space<vmem>> -> memref<128xi32, #tpu.memory_space<vmem>>
        %dma_start3A_115 = arith.constant 0 : i32
        %dma_start3A_116 = arith.constant 0 : i32
        %dma_start3A_117 = tpu.memref_slice %arg5[%dma_start3A_115, %dma_start3A_116] : memref<50048x64xbf16, #tpu.memory_space<hbm>> -> memref<50048x64xbf16, #tpu.memory_space<hbm>>
        tpu.enqueue_indirect_dma source(%dma_start3A_117 : memref<50048x64xbf16, #tpu.memory_space<hbm>>) target(%arg11 : memref<128x64xbf16, #tpu.memory_space<vmem>>) offsets(%dma_start3A_114 : memref<128xi32, #tpu.memory_space<vmem>>) semaphore(%arg16 : memref<!tpu.dma_semaphore, #tpu.memory_space<semaphore_mem>>)
        %mul3A_118 = arith.constant 4 : i32
        %mul3A_119 = arith.muli %mul3A_118, %scan3A_81 : i32
        %add3A_120 = arith.constant 2 : i32
        %add3A_121 = arith.addi %mul3A_119, %add3A_120 : i32
        %mul3A_122 = arith.constant 128 : i32
        %mul3A_123 = arith.muli %add3A_121, %mul3A_122 : i32
        %dma_wait3A_124 = tpu.memref_slice %arg8[%mul3A_123] : memref<3584xi32, #tpu.memory_space<vmem>> -> memref<128xi32, #tpu.memory_space<vmem>>
        %dma_wait3A_125 = arith.constant 0 : i32
        %dma_wait3A_126 = arith.constant 0 : i32
        %dma_wait3A_127 = tpu.memref_slice %arg5[%dma_wait3A_125, %dma_wait3A_126] : memref<50048x64xbf16, #tpu.memory_space<hbm>> -> memref<50048x64xbf16, #tpu.memory_space<hbm>>
        tpu.wait_indirect_dma semaphore(%arg17 : memref<!tpu.dma_semaphore, #tpu.memory_space<semaphore_mem>>) src(%dma_wait3A_127 : memref<50048x64xbf16, #tpu.memory_space<hbm>>) dst(%arg12 : memref<128x64xbf16, #tpu.memory_space<vmem>>)
        "tpu.region"() ({
          %run_scoped3A_154 = tpu.sem_alloc : memref<!tpu.dma_semaphore, #tpu.memory_space<semaphore_mem>>
          %dma_start3A_155 = arith.constant 0 : i32
          %dma_start3A_156 = tpu.memref_slice %arg9[%add3A_121, %dma_start3A_155] : memref<28x128xi32, #tpu.memory_space<vmem>> -> memref<1x128xi32, #tpu.memory_space<vmem>>
          %dma_start3A_157 = tpu.memref_squeeze %dma_start3A_156 : memref<1x128xi32, #tpu.memory_space<vmem>> -> memref<128xi32, #tpu.memory_space<vmem>>
          %dma_start3A_158 = arith.constant 0 : i32
          %dma_start3A_159 = arith.constant 0 : i32
          %dma_start3A_160 = tpu.memref_slice %arg14[%dma_start3A_158, %dma_start3A_159] : memref<50048x64xbf16, #tpu.memory_space<vmem_shared>> -> memref<50048x64xbf16, #tpu.memory_space<vmem_shared>>
          tpu.enqueue_indirect_dma source(%arg12 : memref<128x64xbf16, #tpu.memory_space<vmem>>) target(%dma_start3A_160 : memref<50048x64xbf16, #tpu.memory_space<vmem_shared>>) offsets(%dma_start3A_157 : memref<128xi32, #tpu.memory_space<vmem>>) semaphore(%run_scoped3A_154 : memref<!tpu.dma_semaphore, #tpu.memory_space<semaphore_mem>>) {add = true}
          %dma_wait3A_161 = arith.constant 0 : i32
          %dma_wait3A_162 = tpu.memref_slice %arg9[%add3A_121, %dma_wait3A_161] : memref<28x128xi32, #tpu.memory_space<vmem>> -> memref<1x128xi32, #tpu.memory_space<vmem>>
          %dma_wait3A_163 = tpu.memref_squeeze %dma_wait3A_162 : memref<1x128xi32, #tpu.memory_space<vmem>> -> memref<128xi32, #tpu.memory_space<vmem>>
          %dma_wait3A_164 = arith.constant 0 : i32
          %dma_wait3A_165 = arith.constant 0 : i32
          %dma_wait3A_166 = tpu.memref_slice %arg14[%dma_wait3A_164, %dma_wait3A_165] : memref<50048x64xbf16, #tpu.memory_space<vmem_shared>> -> memref<50048x64xbf16, #tpu.memory_space<vmem_shared>>
          tpu.wait_indirect_dma semaphore(%run_scoped3A_154 : memref<!tpu.dma_semaphore, #tpu.memory_space<semaphore_mem>>) src(%arg12 : memref<128x64xbf16, #tpu.memory_space<vmem>>) dst(%dma_wait3A_166 : memref<50048x64xbf16, #tpu.memory_space<vmem_shared>>)
          tpu.yield
        }) : () -> ()
        %add3A_128 = arith.constant 4 : i32
        %add3A_129 = arith.addi %add3A_121, %add3A_128 : i32
        %mul3A_130 = arith.constant 128 : i32
        %mul3A_131 = arith.muli %add3A_129, %mul3A_130 : i32
        %dma_start3A_132 = tpu.memref_slice %arg8[%mul3A_131] : memref<3584xi32, #tpu.memory_space<vmem>> -> memref<128xi32, #tpu.memory_space<vmem>>
        %dma_start3A_133 = arith.constant 0 : i32
        %dma_start3A_134 = arith.constant 0 : i32
        %dma_start3A_135 = tpu.memref_slice %arg5[%dma_start3A_133, %dma_start3A_134] : memref<50048x64xbf16, #tpu.memory_space<hbm>> -> memref<50048x64xbf16, #tpu.memory_space<hbm>>
        tpu.enqueue_indirect_dma source(%dma_start3A_135 : memref<50048x64xbf16, #tpu.memory_space<hbm>>) target(%arg12 : memref<128x64xbf16, #tpu.memory_space<vmem>>) offsets(%dma_start3A_132 : memref<128xi32, #tpu.memory_space<vmem>>) semaphore(%arg17 : memref<!tpu.dma_semaphore, #tpu.memory_space<semaphore_mem>>)
        %mul3A_136 = arith.constant 4 : i32
        %mul3A_137 = arith.muli %mul3A_136, %scan3A_81 : i32
        %add3A_138 = arith.constant 3 : i32
        %add3A_139 = arith.addi %mul3A_137, %add3A_138 : i32
        %mul3A_140 = arith.constant 128 : i32
        %mul3A_141 = arith.muli %add3A_139, %mul3A_140 : i32
        %dma_wait3A_142 = tpu.memref_slice %arg8[%mul3A_141] : memref<3584xi32, #tpu.memory_space<vmem>> -> memref<128xi32, #tpu.memory_space<vmem>>
        %dma_wait3A_143 = arith.constant 0 : i32
        %dma_wait3A_144 = arith.constant 0 : i32
        %dma_wait3A_145 = tpu.memref_slice %arg5[%dma_wait3A_143, %dma_wait3A_144] : memref<50048x64xbf16, #tpu.memory_space<hbm>> -> memref<50048x64xbf16, #tpu.memory_space<hbm>>
        tpu.wait_indirect_dma semaphore(%arg18 : memref<!tpu.dma_semaphore, #tpu.memory_space<semaphore_mem>>) src(%dma_wait3A_145 : memref<50048x64xbf16, #tpu.memory_space<hbm>>) dst(%arg13 : memref<128x64xbf16, #tpu.memory_space<vmem>>)
        "tpu.region"() ({
          %run_scoped3A_154 = tpu.sem_alloc : memref<!tpu.dma_semaphore, #tpu.memory_space<semaphore_mem>>
          %dma_start3A_155 = arith.constant 0 : i32
          %dma_start3A_156 = tpu.memref_slice %arg9[%add3A_139, %dma_start3A_155] : memref<28x128xi32, #tpu.memory_space<vmem>> -> memref<1x128xi32, #tpu.memory_space<vmem>>
          %dma_start3A_157 = tpu.memref_squeeze %dma_start3A_156 : memref<1x128xi32, #tpu.memory_space<vmem>> -> memref<128xi32, #tpu.memory_space<vmem>>
          %dma_start3A_158 = arith.constant 0 : i32
          %dma_start3A_159 = arith.constant 0 : i32
          %dma_start3A_160 = tpu.memref_slice %arg14[%dma_start3A_158, %dma_start3A_159] : memref<50048x64xbf16, #tpu.memory_space<vmem_shared>> -> memref<50048x64xbf16, #tpu.memory_space<vmem_shared>>
          tpu.enqueue_indirect_dma source(%arg13 : memref<128x64xbf16, #tpu.memory_space<vmem>>) target(%dma_start3A_160 : memref<50048x64xbf16, #tpu.memory_space<vmem_shared>>) offsets(%dma_start3A_157 : memref<128xi32, #tpu.memory_space<vmem>>) semaphore(%run_scoped3A_154 : memref<!tpu.dma_semaphore, #tpu.memory_space<semaphore_mem>>) {add = true}
          %dma_wait3A_161 = arith.constant 0 : i32
          %dma_wait3A_162 = tpu.memref_slice %arg9[%add3A_139, %dma_wait3A_161] : memref<28x128xi32, #tpu.memory_space<vmem>> -> memref<1x128xi32, #tpu.memory_space<vmem>>
          %dma_wait3A_163 = tpu.memref_squeeze %dma_wait3A_162 : memref<1x128xi32, #tpu.memory_space<vmem>> -> memref<128xi32, #tpu.memory_space<vmem>>
          %dma_wait3A_164 = arith.constant 0 : i32
          %dma_wait3A_165 = arith.constant 0 : i32
          %dma_wait3A_166 = tpu.memref_slice %arg14[%dma_wait3A_164, %dma_wait3A_165] : memref<50048x64xbf16, #tpu.memory_space<vmem_shared>> -> memref<50048x64xbf16, #tpu.memory_space<vmem_shared>>
          tpu.wait_indirect_dma semaphore(%run_scoped3A_154 : memref<!tpu.dma_semaphore, #tpu.memory_space<semaphore_mem>>) src(%arg13 : memref<128x64xbf16, #tpu.memory_space<vmem>>) dst(%dma_wait3A_166 : memref<50048x64xbf16, #tpu.memory_space<vmem_shared>>)
          tpu.yield
        }) : () -> ()
        %add3A_146 = arith.constant 4 : i32
        %add3A_147 = arith.addi %add3A_139, %add3A_146 : i32
        %mul3A_148 = arith.constant 128 : i32
        %mul3A_149 = arith.muli %add3A_147, %mul3A_148 : i32
        %dma_start3A_150 = tpu.memref_slice %arg8[%mul3A_149] : memref<3584xi32, #tpu.memory_space<vmem>> -> memref<128xi32, #tpu.memory_space<vmem>>
        %dma_start3A_151 = arith.constant 0 : i32
        %dma_start3A_152 = arith.constant 0 : i32
        %dma_start3A_153 = tpu.memref_slice %arg5[%dma_start3A_151, %dma_start3A_152] : memref<50048x64xbf16, #tpu.memory_space<hbm>> -> memref<50048x64xbf16, #tpu.memory_space<hbm>>
        tpu.enqueue_indirect_dma source(%dma_start3A_153 : memref<50048x64xbf16, #tpu.memory_space<hbm>>) target(%arg13 : memref<128x64xbf16, #tpu.memory_space<vmem>>) offsets(%dma_start3A_150 : memref<128xi32, #tpu.memory_space<vmem>>) semaphore(%arg18 : memref<!tpu.dma_semaphore, #tpu.memory_space<semaphore_mem>>)
      }
      %scan3A_58 = arith.constant 6 : i32
      %dma_wait3A = arith.constant 3072 : i32
      %dma_wait3A_59 = tpu.memref_slice %arg8[%dma_wait3A] : memref<3584xi32, #tpu.memory_space<vmem>> -> memref<128xi32, #tpu.memory_space<vmem>>
      %dma_wait3A_60 = arith.constant 0 : i32
      %dma_wait3A_61 = arith.constant 0 : i32
      %dma_wait3A_62 = tpu.memref_slice %arg5[%dma_wait3A_60, %dma_wait3A_61] : memref<50048x64xbf16, #tpu.memory_space<hbm>> -> memref<50048x64xbf16, #tpu.memory_space<hbm>>
      tpu.wait_indirect_dma semaphore(%arg15 : memref<!tpu.dma_semaphore, #tpu.memory_space<semaphore_mem>>) src(%dma_wait3A_62 : memref<50048x64xbf16, #tpu.memory_space<hbm>>) dst(%arg10 : memref<128x64xbf16, #tpu.memory_space<vmem>>)
      %run_scoped3A = arith.constant 24 : i32
      "tpu.region"() ({
        %run_scoped3A_81 = tpu.sem_alloc : memref<!tpu.dma_semaphore, #tpu.memory_space<semaphore_mem>>
        %dma_start3A_82 = arith.constant 0 : i32
        %dma_start3A_83 = tpu.memref_slice %arg9[%run_scoped3A, %dma_start3A_82] : memref<28x128xi32, #tpu.memory_space<vmem>> -> memref<1x128xi32, #tpu.memory_space<vmem>>
        %dma_start3A_84 = tpu.memref_squeeze %dma_start3A_83 : memref<1x128xi32, #tpu.memory_space<vmem>> -> memref<128xi32, #tpu.memory_space<vmem>>
        %dma_start3A_85 = arith.constant 0 : i32
        %dma_start3A_86 = arith.constant 0 : i32
        %dma_start3A_87 = tpu.memref_slice %arg14[%dma_start3A_85, %dma_start3A_86] : memref<50048x64xbf16, #tpu.memory_space<vmem_shared>> -> memref<50048x64xbf16, #tpu.memory_space<vmem_shared>>
        tpu.enqueue_indirect_dma source(%arg10 : memref<128x64xbf16, #tpu.memory_space<vmem>>) target(%dma_start3A_87 : memref<50048x64xbf16, #tpu.memory_space<vmem_shared>>) offsets(%dma_start3A_84 : memref<128xi32, #tpu.memory_space<vmem>>) semaphore(%run_scoped3A_81 : memref<!tpu.dma_semaphore, #tpu.memory_space<semaphore_mem>>) {add = true}
        %dma_wait3A_88 = arith.constant 0 : i32
        %dma_wait3A_89 = tpu.memref_slice %arg9[%run_scoped3A, %dma_wait3A_88] : memref<28x128xi32, #tpu.memory_space<vmem>> -> memref<1x128xi32, #tpu.memory_space<vmem>>
        %dma_wait3A_90 = tpu.memref_squeeze %dma_wait3A_89 : memref<1x128xi32, #tpu.memory_space<vmem>> -> memref<128xi32, #tpu.memory_space<vmem>>
        %dma_wait3A_91 = arith.constant 0 : i32
        %dma_wait3A_92 = arith.constant 0 : i32
        %dma_wait3A_93 = tpu.memref_slice %arg14[%dma_wait3A_91, %dma_wait3A_92] : memref<50048x64xbf16, #tpu.memory_space<vmem_shared>> -> memref<50048x64xbf16, #tpu.memory_space<vmem_shared>>
        tpu.wait_indirect_dma semaphore(%run_scoped3A_81 : memref<!tpu.dma_semaphore, #tpu.memory_space<semaphore_mem>>) src(%arg10 : memref<128x64xbf16, #tpu.memory_space<vmem>>) dst(%dma_wait3A_93 : memref<50048x64xbf16, #tpu.memory_space<vmem_shared>>)
        tpu.yield
      }) : () -> ()
      %dma_wait3A_63 = arith.constant 3200 : i32
      %dma_wait3A_64 = tpu.memref_slice %arg8[%dma_wait3A_63] : memref<3584xi32, #tpu.memory_space<vmem>> -> memref<128xi32, #tpu.memory_space<vmem>>
      %dma_wait3A_65 = arith.constant 0 : i32
      %dma_wait3A_66 = arith.constant 0 : i32
      %dma_wait3A_67 = tpu.memref_slice %arg5[%dma_wait3A_65, %dma_wait3A_66] : memref<50048x64xbf16, #tpu.memory_space<hbm>> -> memref<50048x64xbf16, #tpu.memory_space<hbm>>
      tpu.wait_indirect_dma semaphore(%arg16 : memref<!tpu.dma_semaphore, #tpu.memory_space<semaphore_mem>>) src(%dma_wait3A_67 : memref<50048x64xbf16, #tpu.memory_space<hbm>>) dst(%arg11 : memref<128x64xbf16, #tpu.memory_space<vmem>>)
      %run_scoped3A_68 = arith.constant 25 : i32
      "tpu.region"() ({
        %run_scoped3A_81 = tpu.sem_alloc : memref<!tpu.dma_semaphore, #tpu.memory_space<semaphore_mem>>
        %dma_start3A_82 = arith.constant 0 : i32
        %dma_start3A_83 = tpu.memref_slice %arg9[%run_scoped3A_68, %dma_start3A_82] : memref<28x128xi32, #tpu.memory_space<vmem>> -> memref<1x128xi32, #tpu.memory_space<vmem>>
        %dma_start3A_84 = tpu.memref_squeeze %dma_start3A_83 : memref<1x128xi32, #tpu.memory_space<vmem>> -> memref<128xi32, #tpu.memory_space<vmem>>
        %dma_start3A_85 = arith.constant 0 : i32
        %dma_start3A_86 = arith.constant 0 : i32
        %dma_start3A_87 = tpu.memref_slice %arg14[%dma_start3A_85, %dma_start3A_86] : memref<50048x64xbf16, #tpu.memory_space<vmem_shared>> -> memref<50048x64xbf16, #tpu.memory_space<vmem_shared>>
        tpu.enqueue_indirect_dma source(%arg11 : memref<128x64xbf16, #tpu.memory_space<vmem>>) target(%dma_start3A_87 : memref<50048x64xbf16, #tpu.memory_space<vmem_shared>>) offsets(%dma_start3A_84 : memref<128xi32, #tpu.memory_space<vmem>>) semaphore(%run_scoped3A_81 : memref<!tpu.dma_semaphore, #tpu.memory_space<semaphore_mem>>) {add = true}
        %dma_wait3A_88 = arith.constant 0 : i32
        %dma_wait3A_89 = tpu.memref_slice %arg9[%run_scoped3A_68, %dma_wait3A_88] : memref<28x128xi32, #tpu.memory_space<vmem>> -> memref<1x128xi32, #tpu.memory_space<vmem>>
        %dma_wait3A_90 = tpu.memref_squeeze %dma_wait3A_89 : memref<1x128xi32, #tpu.memory_space<vmem>> -> memref<128xi32, #tpu.memory_space<vmem>>
        %dma_wait3A_91 = arith.constant 0 : i32
        %dma_wait3A_92 = arith.constant 0 : i32
        %dma_wait3A_93 = tpu.memref_slice %arg14[%dma_wait3A_91, %dma_wait3A_92] : memref<50048x64xbf16, #tpu.memory_space<vmem_shared>> -> memref<50048x64xbf16, #tpu.memory_space<vmem_shared>>
        tpu.wait_indirect_dma semaphore(%run_scoped3A_81 : memref<!tpu.dma_semaphore, #tpu.memory_space<semaphore_mem>>) src(%arg11 : memref<128x64xbf16, #tpu.memory_space<vmem>>) dst(%dma_wait3A_93 : memref<50048x64xbf16, #tpu.memory_space<vmem_shared>>)
        tpu.yield
      }) : () -> ()
      %dma_wait3A_69 = arith.constant 3328 : i32
      %dma_wait3A_70 = tpu.memref_slice %arg8[%dma_wait3A_69] : memref<3584xi32, #tpu.memory_space<vmem>> -> memref<128xi32, #tpu.memory_space<vmem>>
      %dma_wait3A_71 = arith.constant 0 : i32
      %dma_wait3A_72 = arith.constant 0 : i32
      %dma_wait3A_73 = tpu.memref_slice %arg5[%dma_wait3A_71, %dma_wait3A_72] : memref<50048x64xbf16, #tpu.memory_space<hbm>> -> memref<50048x64xbf16, #tpu.memory_space<hbm>>
      tpu.wait_indirect_dma semaphore(%arg17 : memref<!tpu.dma_semaphore, #tpu.memory_space<semaphore_mem>>) src(%dma_wait3A_73 : memref<50048x64xbf16, #tpu.memory_space<hbm>>) dst(%arg12 : memref<128x64xbf16, #tpu.memory_space<vmem>>)
      %run_scoped3A_74 = arith.constant 26 : i32
      "tpu.region"() ({
        %run_scoped3A_81 = tpu.sem_alloc : memref<!tpu.dma_semaphore, #tpu.memory_space<semaphore_mem>>
        %dma_start3A_82 = arith.constant 0 : i32
        %dma_start3A_83 = tpu.memref_slice %arg9[%run_scoped3A_74, %dma_start3A_82] : memref<28x128xi32, #tpu.memory_space<vmem>> -> memref<1x128xi32, #tpu.memory_space<vmem>>
        %dma_start3A_84 = tpu.memref_squeeze %dma_start3A_83 : memref<1x128xi32, #tpu.memory_space<vmem>> -> memref<128xi32, #tpu.memory_space<vmem>>
        %dma_start3A_85 = arith.constant 0 : i32
        %dma_start3A_86 = arith.constant 0 : i32
        %dma_start3A_87 = tpu.memref_slice %arg14[%dma_start3A_85, %dma_start3A_86] : memref<50048x64xbf16, #tpu.memory_space<vmem_shared>> -> memref<50048x64xbf16, #tpu.memory_space<vmem_shared>>
        tpu.enqueue_indirect_dma source(%arg12 : memref<128x64xbf16, #tpu.memory_space<vmem>>) target(%dma_start3A_87 : memref<50048x64xbf16, #tpu.memory_space<vmem_shared>>) offsets(%dma_start3A_84 : memref<128xi32, #tpu.memory_space<vmem>>) semaphore(%run_scoped3A_81 : memref<!tpu.dma_semaphore, #tpu.memory_space<semaphore_mem>>) {add = true}
        %dma_wait3A_88 = arith.constant 0 : i32
        %dma_wait3A_89 = tpu.memref_slice %arg9[%run_scoped3A_74, %dma_wait3A_88] : memref<28x128xi32, #tpu.memory_space<vmem>> -> memref<1x128xi32, #tpu.memory_space<vmem>>
        %dma_wait3A_90 = tpu.memref_squeeze %dma_wait3A_89 : memref<1x128xi32, #tpu.memory_space<vmem>> -> memref<128xi32, #tpu.memory_space<vmem>>
        %dma_wait3A_91 = arith.constant 0 : i32
        %dma_wait3A_92 = arith.constant 0 : i32
        %dma_wait3A_93 = tpu.memref_slice %arg14[%dma_wait3A_91, %dma_wait3A_92] : memref<50048x64xbf16, #tpu.memory_space<vmem_shared>> -> memref<50048x64xbf16, #tpu.memory_space<vmem_shared>>
        tpu.wait_indirect_dma semaphore(%run_scoped3A_81 : memref<!tpu.dma_semaphore, #tpu.memory_space<semaphore_mem>>) src(%arg12 : memref<128x64xbf16, #tpu.memory_space<vmem>>) dst(%dma_wait3A_93 : memref<50048x64xbf16, #tpu.memory_space<vmem_shared>>)
        tpu.yield
      }) : () -> ()
      %dma_wait3A_75 = arith.constant 3456 : i32
      %dma_wait3A_76 = tpu.memref_slice %arg8[%dma_wait3A_75] : memref<3584xi32, #tpu.memory_space<vmem>> -> memref<128xi32, #tpu.memory_space<vmem>>
      %dma_wait3A_77 = arith.constant 0 : i32
      %dma_wait3A_78 = arith.constant 0 : i32
      %dma_wait3A_79 = tpu.memref_slice %arg5[%dma_wait3A_77, %dma_wait3A_78] : memref<50048x64xbf16, #tpu.memory_space<hbm>> -> memref<50048x64xbf16, #tpu.memory_space<hbm>>
      tpu.wait_indirect_dma semaphore(%arg18 : memref<!tpu.dma_semaphore, #tpu.memory_space<semaphore_mem>>) src(%dma_wait3A_79 : memref<50048x64xbf16, #tpu.memory_space<hbm>>) dst(%arg13 : memref<128x64xbf16, #tpu.memory_space<vmem>>)
      %run_scoped3A_80 = arith.constant 27 : i32
      "tpu.region"() ({
        %run_scoped3A_81 = tpu.sem_alloc : memref<!tpu.dma_semaphore, #tpu.memory_space<semaphore_mem>>
        %dma_start3A_82 = arith.constant 0 : i32
        %dma_start3A_83 = tpu.memref_slice %arg9[%run_scoped3A_80, %dma_start3A_82] : memref<28x128xi32, #tpu.memory_space<vmem>> -> memref<1x128xi32, #tpu.memory_space<vmem>>
        %dma_start3A_84 = tpu.memref_squeeze %dma_start3A_83 : memref<1x128xi32, #tpu.memory_space<vmem>> -> memref<128xi32, #tpu.memory_space<vmem>>
        %dma_start3A_85 = arith.constant 0 : i32
        %dma_start3A_86 = arith.constant 0 : i32
        %dma_start3A_87 = tpu.memref_slice %arg14[%dma_start3A_85, %dma_start3A_86] : memref<50048x64xbf16, #tpu.memory_space<vmem_shared>> -> memref<50048x64xbf16, #tpu.memory_space<vmem_shared>>
        tpu.enqueue_indirect_dma source(%arg13 : memref<128x64xbf16, #tpu.memory_space<vmem>>) target(%dma_start3A_87 : memref<50048x64xbf16, #tpu.memory_space<vmem_shared>>) offsets(%dma_start3A_84 : memref<128xi32, #tpu.memory_space<vmem>>) semaphore(%run_scoped3A_81 : memref<!tpu.dma_semaphore, #tpu.memory_space<semaphore_mem>>) {add = true}
        %dma_wait3A_88 = arith.constant 0 : i32
        %dma_wait3A_89 = tpu.memref_slice %arg9[%run_scoped3A_80, %dma_wait3A_88] : memref<28x128xi32, #tpu.memory_space<vmem>> -> memref<1x128xi32, #tpu.memory_space<vmem>>
        %dma_wait3A_90 = tpu.memref_squeeze %dma_wait3A_89 : memref<1x128xi32, #tpu.memory_space<vmem>> -> memref<128xi32, #tpu.memory_space<vmem>>
        %dma_wait3A_91 = arith.constant 0 : i32
        %dma_wait3A_92 = arith.constant 0 : i32
        %dma_wait3A_93 = tpu.memref_slice %arg14[%dma_wait3A_91, %dma_wait3A_92] : memref<50048x64xbf16, #tpu.memory_space<vmem_shared>> -> memref<50048x64xbf16, #tpu.memory_space<vmem_shared>>
        tpu.wait_indirect_dma semaphore(%run_scoped3A_81 : memref<!tpu.dma_semaphore, #tpu.memory_space<semaphore_mem>>) src(%arg13 : memref<128x64xbf16, #tpu.memory_space<vmem>>) dst(%dma_wait3A_93 : memref<50048x64xbf16, #tpu.memory_space<vmem_shared>>)
        tpu.yield
      }) : () -> ()
    }
    %scan3A_21 = arith.constant 7 : i32
    %barrier3A_22 = arith.constant 0 : index
    tpu.barrier barrier_id(%barrier3A_22)
    %mul3A_23 = arith.constant 3128 : i32
    %mul3A_24 = arith.muli %arg1, %mul3A_23 : i32
    %mul3A_25 = arith.constant 3128 : i32
    %mul3A_26 = arith.muli %arg1, %mul3A_25 : i32
    "tpu.region"() ({
      %run_scoped3A = tpu.sem_alloc : memref<!tpu.dma_semaphore, #tpu.memory_space<semaphore_mem>>
      %dma_start3A = arith.constant 64 : i32
      %dma_start3A_27 = tpu.memref_slice %arg7[%arg0, %mul3A_26, %dma_start3A] : memref<2x50048x128xbf16, #tpu.memory_space<hbm>> -> memref<1x3128x64xbf16, #tpu.memory_space<hbm>>
      %dma_start3A_28 = tpu.memref_squeeze %dma_start3A_27 : memref<1x3128x64xbf16, #tpu.memory_space<hbm>> -> memref<3128x64xbf16, #tpu.memory_space<hbm>>
      %dma_start3A_29 = arith.constant 0 : i32
      %dma_start3A_30 = tpu.memref_slice %arg14[%mul3A_24, %dma_start3A_29] : memref<50048x64xbf16, #tpu.memory_space<vmem_shared>> -> memref<3128x64xbf16, #tpu.memory_space<vmem_shared>>
      tpu.enqueue_dma source(%dma_start3A_30 : memref<3128x64xbf16, #tpu.memory_space<vmem_shared>>) target(%dma_start3A_28 : memref<3128x64xbf16, #tpu.memory_space<hbm>>) target_semaphore(%run_scoped3A : memref<!tpu.dma_semaphore, #tpu.memory_space<semaphore_mem>>)
      %dma_wait3A = arith.constant 64 : i32
      %dma_wait3A_31 = tpu.memref_slice %arg7[%arg0, %mul3A_26, %dma_wait3A] : memref<2x50048x128xbf16, #tpu.memory_space<hbm>> -> memref<1x3128x64xbf16, #tpu.memory_space<hbm>>
      %dma_wait3A_32 = tpu.memref_squeeze %dma_wait3A_31 : memref<1x3128x64xbf16, #tpu.memory_space<hbm>> -> memref<3128x64xbf16, #tpu.memory_space<hbm>>
      %dma_wait3A_33 = arith.constant 0 : i32
      %dma_wait3A_34 = tpu.memref_slice %arg14[%mul3A_24, %dma_wait3A_33] : memref<50048x64xbf16, #tpu.memory_space<vmem_shared>> -> memref<3128x64xbf16, #tpu.memory_space<vmem_shared>>
      tpu.wait_dma2 semaphore(%run_scoped3A : memref<!tpu.dma_semaphore, #tpu.memory_space<semaphore_mem>>) src(%dma_wait3A_34 : memref<3128x64xbf16, #tpu.memory_space<vmem_shared>>) dst(%dma_wait3A_32 : memref<3128x64xbf16, #tpu.memory_space<hbm>>)
      tpu.yield
    }) : () -> ()
    return
  }
}

module attributes {stable_mosaic.version = 14 : i64} {
  func.func @_scale_body(%arg0: i32, %arg1: memref<2x2176x8xf32, #tpu.memory_space<vmem>>, %arg2: memref<2x2176x32xf32, #tpu.memory_space<vmem>>, %arg3: memref<2x2176x32xf32, #tpu.memory_space<vmem>>, %arg4: memref<2176x64xbf16, #tpu.memory_space<vmem>>, %arg5: memref<2176x64xbf16, #tpu.memory_space<vmem>>) attributes {dimension_semantics = [#tpu.dimension_semantics<arbitrary>], iteration_bounds = array<i64: 23>, scalar_prefetch = 0 : i64, scratch_operands = 0 : i64, tpu.core_type = #tpu.core_type<tc>, window_params = [{transform_indices = @transform_0, window_bounds = array<i64: 2, 2176, 8>}, {transform_indices = @transform_1, window_bounds = array<i64: 2, 2176, 32>}, {transform_indices = @transform_2, window_bounds = array<i64: 2, 2176, 32>}, {transform_indices = @transform_3, window_bounds = array<i64: 2176, 64>}, {transform_indices = @transform_4, window_bounds = array<i64: 2176, 64>}]} {
    %get3A = arith.constant 0 : index
    %get3A_0 = arith.constant 0 : index
    %get3A_1 = arith.constant 0 : index
    %get3A_2 = vector.load %arg1[%get3A, %get3A_0, %get3A_1] : memref<2x2176x8xf32, #tpu.memory_space<vmem>>, vector<2x2176x8xf32>
    %slice3A = vector.extract_strided_slice %get3A_2 {offsets = [0, 0, 0], sizes = [1, 2176, 8], strides = [1, 1, 1]} : vector<2x2176x8xf32> to vector<1x2176x8xf32>
    %squeeze3A = vector.shape_cast %slice3A : vector<1x2176x8xf32> to vector<2176x8xf32>
    %reduce_sum3A = arith.constant dense<0.000000e+00> : vector<2176xf32>
    %reduce_sum3A_3 = vector.multi_reduction <add>, %squeeze3A, %reduce_sum3A [1] : vector<2176x8xf32> to vector<2176xf32>
    %broadcast_in_dim3A = vector.shape_cast %reduce_sum3A_3 : vector<2176xf32> to vector<2176x1xf32>
    %slice3A_4 = vector.extract_strided_slice %get3A_2 {offsets = [1, 0, 0], sizes = [1, 2176, 8], strides = [1, 1, 1]} : vector<2x2176x8xf32> to vector<1x2176x8xf32>
    %squeeze3A_5 = vector.shape_cast %slice3A_4 : vector<1x2176x8xf32> to vector<2176x8xf32>
    %reduce_sum3A_6 = arith.constant dense<0.000000e+00> : vector<2176xf32>
    %reduce_sum3A_7 = vector.multi_reduction <add>, %squeeze3A_5, %reduce_sum3A_6 [1] : vector<2176x8xf32> to vector<2176xf32>
    %broadcast_in_dim3A_8 = vector.shape_cast %reduce_sum3A_7 : vector<2176xf32> to vector<2176x1xf32>
    %add3A = arith.addf %broadcast_in_dim3A, %broadcast_in_dim3A_8 : vector<2176x1xf32>
    %mul3A = arith.constant 1.250000e-01 : f32
    %mul3A_9 = vector.broadcast %mul3A : f32 to vector<2176x1xf32>
    %mul3A_10 = arith.mulf %add3A, %mul3A_9 : vector<2176x1xf32>
    %add3A_11 = arith.constant 2.000000e+00 : f32
    %add3A_12 = vector.broadcast %add3A_11 : f32 to vector<2176x1xf32>
    %add3A_13 = arith.addf %mul3A_10, %add3A_12 : vector<2176x1xf32>
    %rsqrt3A = math.rsqrt %add3A_13 : vector<2176x1xf32>
    %get3A_14 = arith.constant 0 : index
    %get3A_15 = arith.constant 0 : index
    %get3A_16 = arith.constant 0 : index
    %get3A_17 = vector.load %arg2[%get3A_14, %get3A_15, %get3A_16] : memref<2x2176x32xf32, #tpu.memory_space<vmem>>, vector<2x2176x32xf32>
    %get3A_18 = arith.constant 0 : index
    %get3A_19 = arith.constant 0 : index
    %get3A_20 = arith.constant 0 : index
    %get3A_21 = vector.load %arg3[%get3A_18, %get3A_19, %get3A_20] : memref<2x2176x32xf32, #tpu.memory_space<vmem>>, vector<2x2176x32xf32>
    %slice3A_22 = vector.extract_strided_slice %get3A_17 {offsets = [0, 0, 0], sizes = [1, 2176, 32], strides = [1, 1, 1]} : vector<2x2176x32xf32> to vector<1x2176x32xf32>
    %squeeze3A_23 = vector.shape_cast %slice3A_22 : vector<1x2176x32xf32> to vector<2176x32xf32>
    %slice3A_24 = vector.extract_strided_slice %get3A_21 {offsets = [0, 0, 0], sizes = [1, 2176, 32], strides = [1, 1, 1]} : vector<2x2176x32xf32> to vector<1x2176x32xf32>
    %squeeze3A_25 = vector.shape_cast %slice3A_24 : vector<1x2176x32xf32> to vector<2176x32xf32>
    %concatenate3A = tpu.concatenate %squeeze3A_23, %squeeze3A_25 in 1 : vector<2176x32xf32>, vector<2176x32xf32> -> vector<2176x64xf32>
    %mul3A_26 = vector.broadcast %rsqrt3A : vector<2176x1xf32> to vector<2176x64xf32>
    %mul3A_27 = arith.mulf %concatenate3A, %mul3A_26 : vector<2176x64xf32>
    %convert_element_type3A = arith.truncf %mul3A_27 : vector<2176x64xf32> to vector<2176x64xbf16>
    %swap3A = arith.constant 0 : index
    %swap3A_28 = arith.constant 0 : index
    %swap3A_29 = vector.load %arg4[%swap3A, %swap3A_28] : memref<2176x64xbf16, #tpu.memory_space<vmem>>, vector<2176x64xbf16>
    tpu.vector_store %arg4[%swap3A, %swap3A_28], %convert_element_type3A {strides = array<i32>} : memref<2176x64xbf16, #tpu.memory_space<vmem>>, vector<2176x64xbf16>,
    %slice3A_30 = vector.extract_strided_slice %get3A_17 {offsets = [1, 0, 0], sizes = [1, 2176, 32], strides = [1, 1, 1]} : vector<2x2176x32xf32> to vector<1x2176x32xf32>
    %squeeze3A_31 = vector.shape_cast %slice3A_30 : vector<1x2176x32xf32> to vector<2176x32xf32>
    %slice3A_32 = vector.extract_strided_slice %get3A_21 {offsets = [1, 0, 0], sizes = [1, 2176, 32], strides = [1, 1, 1]} : vector<2x2176x32xf32> to vector<1x2176x32xf32>
    %squeeze3A_33 = vector.shape_cast %slice3A_32 : vector<1x2176x32xf32> to vector<2176x32xf32>
    %concatenate3A_34 = tpu.concatenate %squeeze3A_31, %squeeze3A_33 in 1 : vector<2176x32xf32>, vector<2176x32xf32> -> vector<2176x64xf32>
    %mul3A_35 = vector.broadcast %rsqrt3A : vector<2176x1xf32> to vector<2176x64xf32>
    %mul3A_36 = arith.mulf %concatenate3A_34, %mul3A_35 : vector<2176x64xf32>
    %convert_element_type3A_37 = arith.truncf %mul3A_36 : vector<2176x64xf32> to vector<2176x64xbf16>
    %swap3A_38 = arith.constant 0 : index
    %swap3A_39 = arith.constant 0 : index
    %swap3A_40 = vector.load %arg5[%swap3A_38, %swap3A_39] : memref<2176x64xbf16, #tpu.memory_space<vmem>>, vector<2176x64xbf16>
    tpu.vector_store %arg5[%swap3A_38, %swap3A_39], %convert_element_type3A_37 {strides = array<i32>} : memref<2176x64xbf16, #tpu.memory_space<vmem>>, vector<2176x64xbf16>,
    return
  }
  func.func @transform_0(%arg0: i32) -> (i32, i32, i32) {
    %c0_i32 = arith.constant 0 : i32
    %c0_i32_0 = arith.constant 0 : i32
    %c0_i32_1 = arith.constant 0 : i32
    return %c0_i32, %arg0, %c0_i32_0 : i32, i32, i32
  }
  func.func @transform_1(%arg0: i32) -> (i32, i32, i32) {
    %c0_i32 = arith.constant 0 : i32
    %c0_i32_0 = arith.constant 0 : i32
    %c0_i32_1 = arith.constant 0 : i32
    return %c0_i32, %arg0, %c0_i32_0 : i32, i32, i32
  }
  func.func @transform_2(%arg0: i32) -> (i32, i32, i32) {
    %c0_i32 = arith.constant 0 : i32
    %c0_i32_0 = arith.constant 0 : i32
    %c0_i32_1 = arith.constant 0 : i32
    return %c0_i32, %arg0, %c0_i32_0 : i32, i32, i32
  }
  func.func @transform_3(%arg0: i32) -> (i32, i32) {
    %c0_i32 = arith.constant 0 : i32
    %c0_i32_0 = arith.constant 0 : i32
    return %arg0, %c0_i32 : i32, i32
  }
  func.func @transform_4(%arg0: i32) -> (i32, i32) {
    %c0_i32 = arith.constant 0 : i32
    %c0_i32_0 = arith.constant 0 : i32
    return %arg0, %c0_i32 : i32, i32
  }
}

module attributes {stable_mosaic.version = 14 : i64} {
  func.func @_final_body(%arg0: i32, %arg1: memref<2176x128xf32, #tpu.memory_space<vmem>>, %arg2: memref<2x2176x8xf32, #tpu.memory_space<vmem>>, %arg3: memref<2176x64xbf16, #tpu.memory_space<vmem>>, %arg4: memref<2176x64xbf16, #tpu.memory_space<vmem>>, %arg5: memref<2x2176x32xf32, #tpu.memory_space<vmem>>, %arg6: memref<64x128xf32, #tpu.memory_space<vmem>>, %arg7: memref<1x128xf32, #tpu.memory_space<vmem>>, %arg8: memref<2x2176x32xf32, #tpu.memory_space<vmem>>, %arg9: memref<2x2176x32xf32, #tpu.memory_space<vmem>>) attributes {dimension_semantics = [#tpu.dimension_semantics<arbitrary>], iteration_bounds = array<i64: 23>, scalar_prefetch = 0 : i64, scratch_operands = 0 : i64, tpu.core_type = #tpu.core_type<tc>, window_params = [{transform_indices = @transform_0, window_bounds = array<i64: 2176, 128>}, {transform_indices = @transform_1, window_bounds = array<i64: 2, 2176, 8>}, {transform_indices = @transform_2, window_bounds = array<i64: 2176, 64>}, {transform_indices = @transform_3, window_bounds = array<i64: 2176, 64>}, {transform_indices = @transform_4, window_bounds = array<i64: 2, 2176, 32>}, {pipeline_mode = #tpu.pipeline_mode<synchronous>, transform_indices = @transform_5, window_bounds = array<i64: 64, 128>}, {pipeline_mode = #tpu.pipeline_mode<synchronous>, transform_indices = @transform_6, window_bounds = array<i64: 1, 128>}, {transform_indices = @transform_7, window_bounds = array<i64: 2, 2176, 32>}, {transform_indices = @transform_8, window_bounds = array<i64: 2, 2176, 32>}]} {
    %get3A = arith.constant 0 : index
    %get3A_0 = arith.constant 0 : index
    %get3A_1 = arith.constant 0 : index
    %get3A_2 = vector.load %arg2[%get3A, %get3A_0, %get3A_1] : memref<2x2176x8xf32, #tpu.memory_space<vmem>>, vector<2x2176x8xf32>
    %slice3A = vector.extract_strided_slice %get3A_2 {offsets = [0, 0, 0], sizes = [1, 2176, 8], strides = [1, 1, 1]} : vector<2x2176x8xf32> to vector<1x2176x8xf32>
    %squeeze3A = vector.shape_cast %slice3A : vector<1x2176x8xf32> to vector<2176x8xf32>
    %reduce_sum3A = arith.constant dense<0.000000e+00> : vector<2176xf32>
    %reduce_sum3A_3 = vector.multi_reduction <add>, %squeeze3A, %reduce_sum3A [1] : vector<2176x8xf32> to vector<2176xf32>
    %broadcast_in_dim3A = vector.shape_cast %reduce_sum3A_3 : vector<2176xf32> to vector<2176x1xf32>
    %slice3A_4 = vector.extract_strided_slice %get3A_2 {offsets = [1, 0, 0], sizes = [1, 2176, 8], strides = [1, 1, 1]} : vector<2x2176x8xf32> to vector<1x2176x8xf32>
    %squeeze3A_5 = vector.shape_cast %slice3A_4 : vector<1x2176x8xf32> to vector<2176x8xf32>
    %reduce_sum3A_6 = arith.constant dense<0.000000e+00> : vector<2176xf32>
    %reduce_sum3A_7 = vector.multi_reduction <add>, %squeeze3A_5, %reduce_sum3A_6 [1] : vector<2176x8xf32> to vector<2176xf32>
    %broadcast_in_dim3A_8 = vector.shape_cast %reduce_sum3A_7 : vector<2176xf32> to vector<2176x1xf32>
    %add3A = arith.addf %broadcast_in_dim3A, %broadcast_in_dim3A_8 : vector<2176x1xf32>
    %mul3A = arith.constant 1.250000e-01 : f32
    %mul3A_9 = vector.broadcast %mul3A : f32 to vector<2176x1xf32>
    %mul3A_10 = arith.mulf %add3A, %mul3A_9 : vector<2176x1xf32>
    %add3A_11 = arith.constant 2.000000e+00 : f32
    %add3A_12 = vector.broadcast %add3A_11 : f32 to vector<2176x1xf32>
    %add3A_13 = arith.addf %mul3A_10, %add3A_12 : vector<2176x1xf32>
    %rsqrt3A = math.rsqrt %add3A_13 : vector<2176x1xf32>
    %get3A_14 = arith.constant 0 : index
    %get3A_15 = arith.constant 0 : index
    %get3A_16 = vector.load %arg1[%get3A_14, %get3A_15] : memref<2176x128xf32, #tpu.memory_space<vmem>>, vector<2176x128xf32>
    %get3A_17 = arith.constant 0 : index
    %get3A_18 = arith.constant 0 : index
    %get3A_19 = vector.load %arg3[%get3A_17, %get3A_18] : memref<2176x64xbf16, #tpu.memory_space<vmem>>, vector<2176x64xbf16>
    %get3A_20 = arith.constant 0 : index
    %get3A_21 = arith.constant 0 : index
    %get3A_22 = vector.load %arg4[%get3A_20, %get3A_21] : memref<2176x64xbf16, #tpu.memory_space<vmem>>, vector<2176x64xbf16>
    %concatenate3A = tpu.concatenate %get3A_19, %get3A_22 in 1 : vector<2176x64xbf16>, vector<2176x64xbf16> -> vector<2176x128xbf16>
    %convert_element_type3A = arith.extf %concatenate3A : vector<2176x128xbf16> to vector<2176x128xf32>
    %mul3A_23 = arith.constant 2.000000e+00 : f32
    %mul3A_24 = vector.broadcast %mul3A_23 : f32 to vector<2176x128xf32>
    %mul3A_25 = arith.mulf %mul3A_24, %convert_element_type3A : vector<2176x128xf32>
    %add3A_26 = arith.addf %get3A_16, %mul3A_25 : vector<2176x128xf32>
    %mul3A_27 = vector.broadcast %rsqrt3A : vector<2176x1xf32> to vector<2176x128xf32>
    %mul3A_28 = arith.mulf %add3A_26, %mul3A_27 : vector<2176x128xf32>
    %get3A_29 = arith.constant 0 : index
    %get3A_30 = arith.constant 0 : index
    %get3A_31 = vector.load %arg6[%get3A_29, %get3A_30] : memref<64x128xf32, #tpu.memory_space<vmem>>, vector<64x128xf32>
    %get3A_32 = arith.constant 0 : index
    %get3A_33 = arith.constant 0 : index
    %get3A_34 = vector.load %arg7[%get3A_32, %get3A_33] : memref<1x128xf32, #tpu.memory_space<vmem>>, vector<1x128xf32>
    %slice3A_35 = vector.extract_strided_slice %mul3A_28 {offsets = [0, 0], sizes = [2176, 64], strides = [1, 1]} : vector<2176x128xf32> to vector<2176x64xf32>
    %dot_general3A = arith.constant dense<0.000000e+00> : vector<2176x128xf32>
    %dot_general3A_36 = tpu.matmul %slice3A_35, %get3A_31, %dot_general3A {dimension_numbers = #tpu.dot_dimension_numbers<[1], [0], [0], [1], [0, 0, 1, 1], [], []>, transpose_lhs_hint = false} : vector<2176x64xf32>, vector<64x128xf32>, vector<2176x128xf32> -> vector<2176x128xf32>
    %add3A_37 = vector.broadcast %get3A_34 : vector<1x128xf32> to vector<2176x128xf32>
    %add3A_38 = arith.addf %dot_general3A_36, %add3A_37 : vector<2176x128xf32>
    %slice3A_39 = vector.extract_strided_slice %add3A_38 {offsets = [0, 0], sizes = [2176, 32], strides = [1, 1]} : vector<2176x128xf32> to vector<2176x32xf32>
    %logistic3A = arith.negf %slice3A_39 : vector<2176x32xf32>
    %logistic3A_40 = math.exp %logistic3A : vector<2176x32xf32>
    %logistic3A_41 = arith.constant 1.000000e+00 : f32
    %logistic3A_42 = vector.broadcast %logistic3A_41 : f32 to vector<2176x32xf32>
    %logistic3A_43 = arith.addf %logistic3A_42, %logistic3A_40 : vector<2176x32xf32>
    %logistic3A_44 = arith.divf %logistic3A_42, %logistic3A_43 : vector<2176x32xf32>
    %slice3A_45 = vector.extract_strided_slice %add3A_38 {offsets = [0, 32], sizes = [2176, 32], strides = [1, 1]} : vector<2176x128xf32> to vector<2176x32xf32>
    %logistic3A_46 = arith.negf %slice3A_45 : vector<2176x32xf32>
    %logistic3A_47 = math.exp %logistic3A_46 : vector<2176x32xf32>
    %logistic3A_48 = arith.constant 1.000000e+00 : f32
    %logistic3A_49 = vector.broadcast %logistic3A_48 : f32 to vector<2176x32xf32>
    %logistic3A_50 = arith.addf %logistic3A_49, %logistic3A_47 : vector<2176x32xf32>
    %logistic3A_51 = arith.divf %logistic3A_49, %logistic3A_50 : vector<2176x32xf32>
    %slice3A_52 = vector.extract_strided_slice %add3A_38 {offsets = [0, 64], sizes = [2176, 32], strides = [1, 1]} : vector<2176x128xf32> to vector<2176x32xf32>
    %logistic3A_53 = arith.negf %slice3A_52 : vector<2176x32xf32>
    %logistic3A_54 = math.exp %logistic3A_53 : vector<2176x32xf32>
    %logistic3A_55 = arith.constant 1.000000e+00 : f32
    %logistic3A_56 = vector.broadcast %logistic3A_55 : f32 to vector<2176x32xf32>
    %logistic3A_57 = arith.addf %logistic3A_56, %logistic3A_54 : vector<2176x32xf32>
    %logistic3A_58 = arith.divf %logistic3A_56, %logistic3A_57 : vector<2176x32xf32>
    %slice3A_59 = vector.extract_strided_slice %add3A_38 {offsets = [0, 96], sizes = [2176, 32], strides = [1, 1]} : vector<2176x128xf32> to vector<2176x32xf32>
    %tanh3A = math.tanh %slice3A_59 : vector<2176x32xf32>
    %get3A_60 = arith.constant 0 : index
    %get3A_61 = arith.constant 0 : index
    %get3A_62 = arith.constant 0 : index
    %get3A_63 = vector.load %arg5[%get3A_60, %get3A_61, %get3A_62] : memref<2x2176x32xf32, #tpu.memory_space<vmem>>, vector<1x2176x32xf32>
    %get3A_64 = vector.shape_cast %get3A_63 : vector<1x2176x32xf32> to vector<2176x32xf32>
    %mul3A_65 = arith.mulf %logistic3A_51, %get3A_64 : vector<2176x32xf32>
    %mul3A_66 = arith.mulf %logistic3A_44, %tanh3A : vector<2176x32xf32>
    %add3A_67 = arith.addf %mul3A_65, %mul3A_66 : vector<2176x32xf32>
    %tanh3A_68 = math.tanh %add3A_67 : vector<2176x32xf32>
    %mul3A_69 = arith.mulf %logistic3A_58, %tanh3A_68 : vector<2176x32xf32>
    %slice3A_70 = vector.extract_strided_slice %mul3A_28 {offsets = [0, 64], sizes = [2176, 64], strides = [1, 1]} : vector<2176x128xf32> to vector<2176x64xf32>
    %dot_general3A_71 = arith.constant dense<0.000000e+00> : vector<2176x128xf32>
    %dot_general3A_72 = tpu.matmul %slice3A_70, %get3A_31, %dot_general3A_71 {dimension_numbers = #tpu.dot_dimension_numbers<[1], [0], [0], [1], [0, 0, 1, 1], [], []>, transpose_lhs_hint = false} : vector<2176x64xf32>, vector<64x128xf32>, vector<2176x128xf32> -> vector<2176x128xf32>
    %add3A_73 = vector.broadcast %get3A_34 : vector<1x128xf32> to vector<2176x128xf32>
    %add3A_74 = arith.addf %dot_general3A_72, %add3A_73 : vector<2176x128xf32>
    %slice3A_75 = vector.extract_strided_slice %add3A_74 {offsets = [0, 0], sizes = [2176, 32], strides = [1, 1]} : vector<2176x128xf32> to vector<2176x32xf32>
    %logistic3A_76 = arith.negf %slice3A_75 : vector<2176x32xf32>
    %logistic3A_77 = math.exp %logistic3A_76 : vector<2176x32xf32>
    %logistic3A_78 = arith.constant 1.000000e+00 : f32
    %logistic3A_79 = vector.broadcast %logistic3A_78 : f32 to vector<2176x32xf32>
    %logistic3A_80 = arith.addf %logistic3A_79, %logistic3A_77 : vector<2176x32xf32>
    %logistic3A_81 = arith.divf %logistic3A_79, %logistic3A_80 : vector<2176x32xf32>
    %slice3A_82 = vector.extract_strided_slice %add3A_74 {offsets = [0, 32], sizes = [2176, 32], strides = [1, 1]} : vector<2176x128xf32> to vector<2176x32xf32>
    %logistic3A_83 = arith.negf %slice3A_82 : vector<2176x32xf32>
    %logistic3A_84 = math.exp %logistic3A_83 : vector<2176x32xf32>
    %logistic3A_85 = arith.constant 1.000000e+00 : f32
    %logistic3A_86 = vector.broadcast %logistic3A_85 : f32 to vector<2176x32xf32>
    %logistic3A_87 = arith.addf %logistic3A_86, %logistic3A_84 : vector<2176x32xf32>
    %logistic3A_88 = arith.divf %logistic3A_86, %logistic3A_87 : vector<2176x32xf32>
    %slice3A_89 = vector.extract_strided_slice %add3A_74 {offsets = [0, 64], sizes = [2176, 32], strides = [1, 1]} : vector<2176x128xf32> to vector<2176x32xf32>
    %logistic3A_90 = arith.negf %slice3A_89 : vector<2176x32xf32>
    %logistic3A_91 = math.exp %logistic3A_90 : vector<2176x32xf32>
    %logistic3A_92 = arith.constant 1.000000e+00 : f32
    %logistic3A_93 = vector.broadcast %logistic3A_92 : f32 to vector<2176x32xf32>
    %logistic3A_94 = arith.addf %logistic3A_93, %logistic3A_91 : vector<2176x32xf32>
    %logistic3A_95 = arith.divf %logistic3A_93, %logistic3A_94 : vector<2176x32xf32>
    %slice3A_96 = vector.extract_strided_slice %add3A_74 {offsets = [0, 96], sizes = [2176, 32], strides = [1, 1]} : vector<2176x128xf32> to vector<2176x32xf32>
    %tanh3A_97 = math.tanh %slice3A_96 : vector<2176x32xf32>
    %get3A_98 = arith.constant 1 : index
    %get3A_99 = arith.constant 0 : index
    %get3A_100 = arith.constant 0 : index
    %get3A_101 = vector.load %arg5[%get3A_98, %get3A_99, %get3A_100] : memref<2x2176x32xf32, #tpu.memory_space<vmem>>, vector<1x2176x32xf32>
    %get3A_102 = vector.shape_cast %get3A_101 : vector<1x2176x32xf32> to vector<2176x32xf32>
    %mul3A_103 = arith.mulf %logistic3A_88, %get3A_102 : vector<2176x32xf32>
    %mul3A_104 = arith.mulf %logistic3A_81, %tanh3A_97 : vector<2176x32xf32>
    %add3A_105 = arith.addf %mul3A_103, %mul3A_104 : vector<2176x32xf32>
    %tanh3A_106 = math.tanh %add3A_105 : vector<2176x32xf32>
    %mul3A_107 = arith.mulf %logistic3A_95, %tanh3A_106 : vector<2176x32xf32>
    %stack3A = vector.shape_cast %mul3A_69 : vector<2176x32xf32> to vector<1x2176x32xf32>
    %stack3A_108 = vector.shape_cast %mul3A_107 : vector<2176x32xf32> to vector<1x2176x32xf32>
    %stack3A_109 = tpu.concatenate %stack3A, %stack3A_108 in 0 : vector<1x2176x32xf32>, vector<1x2176x32xf32> -> vector<2x2176x32xf32>
    %swap3A = arith.constant 0 : index
    %swap3A_110 = arith.constant 0 : index
    %swap3A_111 = arith.constant 0 : index
    %swap3A_112 = vector.load %arg8[%swap3A, %swap3A_110, %swap3A_111] : memref<2x2176x32xf32, #tpu.memory_space<vmem>>, vector<2x2176x32xf32>
    tpu.vector_store %arg8[%swap3A, %swap3A_110, %swap3A_111], %stack3A_109 {strides = array<i32>} : memref<2x2176x32xf32, #tpu.memory_space<vmem>>, vector<2x2176x32xf32>,
    %stack3A_113 = vector.shape_cast %add3A_67 : vector<2176x32xf32> to vector<1x2176x32xf32>
    %stack3A_114 = vector.shape_cast %add3A_105 : vector<2176x32xf32> to vector<1x2176x32xf32>
    %stack3A_115 = tpu.concatenate %stack3A_113, %stack3A_114 in 0 : vector<1x2176x32xf32>, vector<1x2176x32xf32> -> vector<2x2176x32xf32>
    %swap3A_116 = arith.constant 0 : index
    %swap3A_117 = arith.constant 0 : index
    %swap3A_118 = arith.constant 0 : index
    %swap3A_119 = vector.load %arg9[%swap3A_116, %swap3A_117, %swap3A_118] : memref<2x2176x32xf32, #tpu.memory_space<vmem>>, vector<2x2176x32xf32>
    tpu.vector_store %arg9[%swap3A_116, %swap3A_117, %swap3A_118], %stack3A_115 {strides = array<i32>} : memref<2x2176x32xf32, #tpu.memory_space<vmem>>, vector<2x2176x32xf32>,
    return
  }
  func.func @transform_0(%arg0: i32) -> (i32, i32) {
    %c0_i32 = arith.constant 0 : i32
    %c0_i32_0 = arith.constant 0 : i32
    return %arg0, %c0_i32 : i32, i32
  }
  func.func @transform_1(%arg0: i32) -> (i32, i32, i32) {
    %c0_i32 = arith.constant 0 : i32
    %c0_i32_0 = arith.constant 0 : i32
    %c0_i32_1 = arith.constant 0 : i32
    return %c0_i32, %arg0, %c0_i32_0 : i32, i32, i32
  }
  func.func @transform_2(%arg0: i32) -> (i32, i32) {
    %c0_i32 = arith.constant 0 : i32
    %c0_i32_0 = arith.constant 0 : i32
    return %arg0, %c0_i32 : i32, i32
  }
  func.func @transform_3(%arg0: i32) -> (i32, i32) {
    %c0_i32 = arith.constant 0 : i32
    %c0_i32_0 = arith.constant 0 : i32
    return %arg0, %c0_i32 : i32, i32
  }
  func.func @transform_4(%arg0: i32) -> (i32, i32, i32) {
    %c0_i32 = arith.constant 0 : i32
    %c0_i32_0 = arith.constant 0 : i32
    %c0_i32_1 = arith.constant 0 : i32
    return %c0_i32, %arg0, %c0_i32_0 : i32, i32, i32
  }
  func.func @transform_5(%arg0: i32) -> (i32, i32) {
    %c0_i32 = arith.constant 0 : i32
    %c0_i32_0 = arith.constant 0 : i32
    %c0_i32_1 = arith.constant 0 : i32
    return %c0_i32, %c0_i32_0 : i32, i32
  }
  func.func @transform_6(%arg0: i32) -> (i32, i32) {
    %c0_i32 = arith.constant 0 : i32
    %c0_i32_0 = arith.constant 0 : i32
    %c0_i32_1 = arith.constant 0 : i32
    return %c0_i32, %c0_i32_0 : i32, i32
  }
  func.func @transform_7(%arg0: i32) -> (i32, i32, i32) {
    %c0_i32 = arith.constant 0 : i32
    %c0_i32_0 = arith.constant 0 : i32
    %c0_i32_1 = arith.constant 0 : i32
    return %c0_i32, %arg0, %c0_i32_0 : i32, i32, i32
  }
  func.func @transform_8(%arg0: i32) -> (i32, i32, i32) {
    %c0_i32 = arith.constant 0 : i32
    %c0_i32_0 = arith.constant 0 : i32
    %c0_i32_1 = arith.constant 0 : i32
    return %c0_i32, %arg0, %c0_i32_0 : i32, i32, i32
  }
}

</mosaic_0001>

<sc_bundles>
// kernel: kernel.6.cloned.1.call-start
scs
__scs_entry_jumppad:
0x0: {  	(pc) =	sbr.rel $0x88, $3  }
0x1: {  	(tag) =	ssettag $0x0;
	lr =	simm.s32 $0x1  }
0x2: {  	[smem:$0x3F9B] =	sst lr;
	_ =	strace $0xD0000000  }
0x3: {  	_ = 	snop  }
0x4: {  	_ = 	snop  }
0x5: {  	_ = 	snop  }
0x6: {  	_ = 	snop  }
0x7: {  	_ = 	snop  }
__scs_overlays_trampoline_lowered:
0x8: {  	[smem:$0x3FAA] =	sst s0  }
0x9: {  	[smem:$0x3FAB] =	sst s1  }
0xa: {  	[smem:$0x3FAC] =	sst s2  }
0xb: {  	[smem:$0x3FAD] =	sst s3  }
0xc: {  	[smem:$0x3FAE] =	sst s4  }
0xd: {  	[smem:$0x3FAF] =	sst s5  }
0xe: {  	[smem:$0x3FB0] =	sst s6  }
0xf: {  	[smem:$0x3FB1] =	sst s7  }
0x10: {  	[smem:$0x3FB2] =	sst s8  }
0x11: {  	[smem:$0x3FB3] =	sst s9;
	s0 =	simm.s32 @!p0 $0x0  }
0x12: {  	s1 =	sld [smem:$0x3F99];
	s0 =	simm.s32 @p0 $0x1  }
0x13: {  	[smem:$0x3FB4] =	sst s0;
	s0 =	simm.s32 @!p1 $0x0  }
0x14: {  	s2 =	sld [smem:$0x3F98];
	s0 =	simm.s32 @p1 $0x1  }
0x15: {  	[smem:$0x3FB5] =	sst s0;
	s0 =	simm.s32 @!p2 $0x0  }
0x16: {  	s3 =	sld [smem:$0x3FDB];
	s0 =	simm.s32 @p2 $0x1  }
0x17: {  	s4 =	simm.s32 $0x1BF5;
	[smem:$0x3FB7] =	sst s0  }
0x18: {  	s0 =	sld [smem:$0x3F9A];
	_ =	swait.ge [sflag:s4], $0x0  }
0x19: {  	s7 =	sld [smem:$0x3F9B]  }
0x1a: {  	s8 =	sadd.s32 $0xFFFFE003, lr  }
0x1b: {  	s9 =	sadd.s32 $0xFFFFFEF7, lr;
	s5 =	simm.s32 $0xFFFFFFFF;
	p2 =	slt.u32 s8, $0xFFFFF086  }
0x1c: {  	p1 =	slt.u32 s9, $0xF7A;
	s5 =	simm.s32 @!p2 $0x0  }
0x1d: {  	s5 =	simm.s32 @p1 $0x1;
	p0 =	seq.s32 s7, s2  }
0x1e: {  	s7 =	smul.u32 @!p0 $0xF7A, s2;
	p2 =	seq.s32 @!p0 s5, $0x0  }
0x1f: {  	s9 =	smul.u32 $0xF7A, s1;
	s8 =	simm.s32 @!p0 $0x1BF5;
	p2 =	por !p2, p0  }
0x20: {  	[sflag:s8] =	ssyncset.s32 @!p0 $0xFFFFF086;
	s6 =	sadd.s32 @!p0 s3, s7;
	s7 =	simm.s32 @!p0 $0x108  }
0x21: {  	s3 =	sadd.s32 s3, s9;
	s6 =	sadd.s32 @!p0 $0x88, s6;
	s7 =	simm.s32 @p2 $0x1082  }
0x22: {  	[simem:s7], [sflag:s8] =	dma.local @!p0 [hbm:s6], $0xF7A  }
0x23: {  	s9 =	sor.u32 $0xD0000000, s2;
	s6 =	simm.s32 $0x108;
	_ =	swait.ge @!p0 [sflag:s8], $0x0  }
0x24: {  	s3 =	sadd.s32 $0x88, s3;
	s6 =	simm.s32 @!p1 $0x1082;
	[sflag:s4] =	ssyncset.s32 $0xFFFFF086  }
0x25: {  	[simem:s6], [sflag:s4] =	dma.local [hbm:s3], $0xF7A  }
0x26: {  	[smem:$0x3F9B] =	sst s1;
	(tag) =	ssettag s2;
	_ =	strace s9  }
0x27: {  	s1 =	sld [smem:$0x3FAB]  }
0x28: {  	s2 =	sld [smem:$0x3FAC]  }
0x29: {  	s4 =	sld [smem:$0x3FAE]  }
0x2a: {  	p0 =	seq.s32 s5, $0x0;
	s5 =	sld [smem:$0x3FAF]  }
0x2b: {  	s6 =	sld [smem:$0x3FB0]  }
0x2c: {  	s7 =	sld [smem:$0x3FB1]  }
0x2d: {  	s3 =	simm.s32 $0x108;
	s8 =	sld [smem:$0x3FB2]  }
0x2e: {  	s3 =	simm.s32 @!p0 $0x1082;
	s9 =	sld [smem:$0x3FB3]  }
0x2f: {  	lr =	sadd.s32 s0, s3;
	s0 =	sld [smem:$0x3FAA]  }
0x30: {  	s3 =	sld [smem:$0x3FAD]  }
0x31: {  	[smem:$0x3FB6] =	sst s10  }
0x32: {  	s10 =	sld [smem:$0x3FB4];
	_ =	sdelay $0x3  }
0x33: {  	p0 =	seq.s32 s10, $0x1;
	s10 =	sld [smem:$0x3FB6];
	_ =	sdelay $0x3  }
0x34: {  	[smem:$0x3FB6] =	sst s10  }
0x35: {  	s10 =	sld [smem:$0x3FB5];
	_ =	sdelay $0x3  }
0x36: {  	p1 =	seq.s32 s10, $0x1;
	s10 =	sld [smem:$0x3FB6];
	_ =	sdelay $0x3  }
0x37: {  	[smem:$0x3FB6] =	sst s10  }
0x38: {  	s10 =	sld [smem:$0x3FB7]  }
0x39: {  	_ = 	snop;
	(pc) =	sbr.ind lr, $3  }
0x3a: {  	_ = 	snop  }
0x3b: {  	_ = 	snop  }
0x3c: {  	p2 =	seq.s32 s10, $0x1;
	s10 =	sld [smem:$0x3FB6]  }
0x3d: {  	_ =	shalt  }
0x3e: {  	_ =	shalt  }
0x3f: {  	_ =	shalt  }
0x40: {  	_ =	shalt  }
0x41: {  	_ =	shalt  }
0x42: {  	_ =	shalt  }
0x43: {  	_ =	shalt  }
0x44: {  	_ =	shalt  }
0x45: {  	_ =	shalt  }
0x46: {  	_ =	shalt  }
0x47: {  	_ =	shalt  }
0x48: {  	_ =	shalt  }
0x49: {  	_ =	shalt  }
0x4a: {  	_ =	shalt  }
0x4b: {  	_ =	shalt  }
0x4c: {  	_ =	shalt  }
0x4d: {  	_ =	shalt  }
0x4e: {  	_ =	shalt  }
0x4f: {  	_ =	shalt  }
0x50: {  	_ =	shalt  }
0x51: {  	_ =	shalt  }
0x52: {  	_ =	shalt  }
0x53: {  	_ =	shalt  }
0x54: {  	_ =	shalt  }
0x55: {  	_ =	shalt  }
0x56: {  	_ =	shalt  }
0x57: {  	_ =	shalt  }
0x58: {  	_ =	shalt  }
0x59: {  	_ =	shalt  }
0x5a: {  	_ =	shalt  }
0x5b: {  	_ =	shalt  }
0x5c: {  	_ =	shalt  }
0x5d: {  	_ =	shalt  }
0x5e: {  	_ =	shalt  }
0x5f: {  	_ =	shalt  }
0x60: {  	_ =	shalt  }
0x61: {  	_ =	shalt  }
0x62: {  	_ =	shalt  }
0x63: {  	_ =	shalt  }
0x64: {  	_ =	shalt  }
0x65: {  	_ =	shalt  }
0x66: {  	_ =	shalt  }
0x67: {  	_ =	shalt  }
0x68: {  	_ =	shalt  }
0x69: {  	_ =	shalt  }
0x6a: {  	_ =	shalt  }
0x6b: {  	_ =	shalt  }
0x6c: {  	_ =	shalt  }
0x6d: {  	_ =	shalt  }
0x6e: {  	_ =	shalt  }
0x6f: {  	_ =	shalt  }
0x70: {  	_ =	shalt  }
0x71: {  	_ =	shalt  }
0x72: {  	_ =	shalt  }
0x73: {  	_ =	shalt  }
0x74: {  	_ =	shalt  }
0x75: {  	_ =	shalt  }
0x76: {  	_ =	shalt  }
0x77: {  	_ =	shalt  }
0x78: {  	_ =	shalt  }
0x79: {  	_ =	shalt  }
0x7a: {  	_ =	shalt  }
0x7b: {  	_ =	shalt  }
0x7c: {  	_ =	shalt  }
0x7d: {  	_ =	shalt  }
0x7e: {  	_ =	shalt  }
0x7f: {  	_ =	shalt  }
0x80: {  	_ =	shalt  }
0x81: {  	_ =	shalt  }
0x82: {  	_ =	shalt  }
0x83: {  	_ =	shalt  }
0x84: {  	_ =	shalt  }
0x85: {  	_ =	shalt  }
0x86: {  	_ =	shalt  }
0x87: {  	_ =	shalt  }
.Lfunc_end0:
.L_simem_size_0:
called_computation_lowered:
.L_overlay_start_0:
0x88: {  	s2 =	sld [smem:$0x3FD9]  }
0x89: {  	s3 =	sld [smem:$0x3FFE];
	_ =	sdelay $0x1  }
0x8a: {  	s1 =	srdreg.scid  }
0x8b: {  	s0 =	sand.u32 $0x1, s1  }
0x8c: {  	s14 =	sshll.u32 s0, $0xA;
	s2 =	sadd.s32 s3, s2  }
0x8d: {  	s2 =	sadd.s32 s2, s14  }
0x8e: {  	[smem:$0x3FC2] =	sst s2  }
0x8f: {  	_ = 	snop  }
0x90: {  	s2 =	sld [smem:$0x3FD0];
	_ =	sdelay $0x2  }
0x91: {  	s15 =	simm.s32 $0xA;
	s4 =	simm.s32 $0x10  }
0x92: {  	[smem:s4], [sflag:s15] =	dma.local [hbm:s2], $0x1  }
0x93: {  	_ =	swait.eq [sflag:s15], $0x1  }
0x94: {  	[sflag:s15] =	ssyncset.done $0x0  }
0x95: {  	s16 =	sld [smem:$0x10];
	[sflag:s15] =	ssyncadd.s32 $0xFFFFFFFF  }
0x96: {  	s17 =	sld [smem:$0x11];
	(tm) =	ssettm $0x1  }
0x97: {  	s18 =	sld [smem:$0x3FFB];
	_ =	sdelay $0x3  }
0x98: {  	_ =	strace s18  }
0x99: {  	s4 =	sld [smem:$0x3FFC];
	_ =	sdelay $0x3  }
0x9a: {  	_ =	strace s4  }
0x9b: {  	s4 =	sld [smem:$0x3FFD];
	_ =	sdelay $0x3  }
0x9c: {  	_ =	strace s4  }
0x9d: {  	_ =	strace $0x8FFFFFFF  }
0x9e: {  	s19 =	sld [smem:$0x3FDB];
	_ =	sdelay $0x1  }
0x9f: {  	s5 =	simm.s32 $_scs_section_size  }
0xa0: {  	s6 =	simm.s32 $_size__tile_overlayer_lowered;
	s7 =	simm.s32 $_tile_overlayer_lowered  }
0xa1: {  	s22 =	simm.s32 $0x1BFF;
	s21 =	sshll.u32 s7, $0x1;
	s4 =	sadd.s32 s5, s19  }
0xa2: {  	s8 =	simm.s32 $0x0;
	s20 =	sshll.u32 s6, $0x1;
	s6 =	sadd.s32 s21, s4  }
0xa3: {  	[timem:s8], [sflag:s22] =	dma.local [hbm:s6], s20  }
0xa4: {  	_ =	swait.ge [sflag:s22], s20  }
0xa5: {  	s5 =	ssub.s32 $0x0, s20;
	[sflag:s22] =	ssyncset.done $0x0  }
0xa6: {  	[sflag:s22] =	ssyncadd.s32 s5;
	_ =	sdelay $0x1  }
0xa7: {  	s23 =	simm.s32 $0x1B8B  }
0xa8: {  	_ =	swait.ge [sflag:s23], $0x1  }
0xa9: {  	[sflag:s23] =	ssyncset.done $0x0  }
0xaa: {  	s25 =	simm.s32 $0x1B8E;
	s24 =	sld [smem:$0x3FFE];
	[sflag:s23] =	ssyncadd.s32 $0xFFFFFFFF  }
0xab: {  	s26 =	simm.s32 $execute0_lowered;
	[smem:$0x3FD2] =	sst s25  }
0xac: {  	s6 =	sshll.u32 s26, $0x1;
	_ =	strace $0x80000046;
	[dreg:$0x1] =	wrdreg $0xFFFFFFFF  }
0xad: {  	s28 =	simm.s32 $_size_execute0_lowered;
	s4 =	sadd.s32 s4, s6;
	[dreg:$0x0] =	wrdreg $0x0  }
0xae: {  	s6 =	sshll.u32 s28, $0x1;
	[dreg:$0x2] =	wrdreg s4  }
0xaf: {  	[dreg:$0x3] =	wrdreg s6  }
0xb0: {  	[dreg:$0x4] =	wrdreg $0xC0  }
0xb1: {  	_ =	task [dreg:s8], $0x5FFFF  }
0xb2: {  	[dreg:$0x1] =	wrdreg $0xFFFFFFFF  }
0xb3: {  	[dreg:$0x0] =	wrdreg $0x60  }
0xb4: {  	[dreg:$0x2] =	wrdreg s24  }
0xb5: {  	[dreg:$0x3] =	wrdreg s16  }
0xb6: {  	[dreg:$0x4] =	wrdreg s17  }
0xb7: {  	[dreg:$0x5] =	wrdreg $0x66000  }
0xb8: {  	[dreg:$0x6] =	wrdreg $0x9  }
0xb9: {  	_ =	task.clear_ibuf [dreg:s8], $0x7FFFF;
	_ =	strace $0x90000046  }
0xba: {  	s29 =	simm.s32 $0x9;
	_ =	strace $0x80000048  }
0xbb: {  	_ =	swait.ge [sflag:s29], $0x1  }
0xbc: {  	[sflag:s29] =	ssyncadd.s32 $0xFFFFFFFF  }
0xbd: {  	_ =	strace $0x90000048  }
0xbe: {  	_ =	sfence  }
0xbf: {  	s30 =	sld [smem:$0x0];
	_ =	sdelay $0x2  }
0xc0: {  	s31 =	sshll.u32 s1, $0xD;
	s1 =	sshrl.u32 s1, $0x2  }
0xc1: {  	s3 =	sand.u32 $0x4000, s31;
	s1 =	sadd.s32 s1, s30  }
0xc2: {  	s0 =	sor.u32 s3, s0;
	s1 =	sshll.u32 s1, $0x11  }
0xc3: {  	s0 =	sor.u32 s1, s0  }
0xc4: {  	s0 =	sadd.s32 $0x8F2B, s0  }
0xc5: {  	[sflag:s0] =	ssyncadd.remote.s32 $0x1  }
0xc6: {  	_ =	sfence.sel $0xFFFF  }
0xc7: {  	[dreg:$0x0] =	wrdreg $0xFFFFFFFF;
	(pc) =	sbr.abs _section_cstart, $3  }
0xc8: {  	[dreg:$0x1] =	wrdreg $0xFFFFFFFF  }
0xc9: {  	_ =	task.clear_ibuf [dreg:s8], $0x2FFFF;
	_ =	strace $0x9FFFFFFF  }
0xca: {  	(tm) =	ssettm $0x7FFFFFFF  }
0xcb: {  	_ =	shalt  }
tec
execute0_lowered:
.L_overlay_start_1:
0x0: {  	(tag) =	ssettag $0x1  }
0x1: {  	s5 =	rddreg [dreg:$0x0]  }
0x2: {  	s0 =	rddreg [dreg:$0x1]  }
0x3: {  	s7 =	rddreg [dreg:$0x2]  }
0x4: {  	s1 =	srdreg.scid;
	s3 =	rddreg [dreg:$0x3]  }
0x5: {  	s4 =	simm.s32 $0x0;
	s6 =	sand.u32 $0x1, s1;
	s1 =	rddreg [dreg:$0x4]  }
0x6: {  	s2 =	stileid.u32;
	[smem:$0x7FF] =	sst s4  }
0x7: {  	s10 =	smul.u32 $0x61C0, s2;
	s31 =	sshll.u32 s2, $0x6;
	s8 =	sshll.u32 s6, $0x4  }
0x8: {  	_ =	strace $0x80000047;
	s9 =	ssub.s32 $0x2, s6;
	s12 =	smul.u32 $0xC380, s6  }
0x9: {  	s8 =	sor.u32 s2, s8;
	s11 =	sshrl.u32 s9, $0x1;
	s30 =	sadd.s32 s10, s3  }
0xa: {  	s14 =	sshrl.u32 s10, $0x3;
	s10 =	sor.u32 $0x1C01, s31;
	s8 =	smul.u32 $0xC40, s8  }
0xb: {  	s9 =	ssub.s32 s9, s11;
	s13 =	sadd.s32 s7, s12;
	s11 =	sshrl.u32 s30, $0x3  }
0xc: {  	s12 =	simm.s32 $0x80;
	s7 =	smax.u32 s9, $0x1;
	s9 =	simm.s32 $0x6200  }
0xd: {  	s13 =	sadd.s32 s14, s13;
	s14 =	simm.s32 $0x0;
	s8 =	sadd.s32 s8, s5  }
0xe: {  	s5 =	sadd.s32 $0x1D000, s5;
	s6 =	sadd.s32 $0x4800, s8;
	s8 =	simm.s32 $0x1  }
.LBB2_1:
0xf: {  	[tilespmem:s4], [sflag:$0x1] =	stream.linear.gather [hbm4b:s6+s4], $0x6200, $0x38;
	[tilespmem:$0xC7C0] =	vst v63  }
0x10: {  	_ =	swait.ge [sflag:s8], $0x6200  }
0x11: {  	[sflag:s8] =	ssyncset.done $0x0  }
0x12: {  	[sflag:s8] =	ssyncadd.s32 $0xFFFF9E00  }
0x13: {  	[tilespmem:s9], [sflag:$0x1] =	stream.linear.gather [hbm4b:s5+s4], $0x400, $0x38;
	[tilespmem:$0xC7C0] =	vst v63  }
0x14: {  	_ =	swait.ge [sflag:s8], $0x400  }
0x15: {  	[sflag:s8] =	ssyncset.done $0x0  }
0x16: {  	[sflag:s8] =	ssyncadd.s32 $0xFFFFFC00  }
0x17: {  	[spmem:s11], [sflag:s10] =	dma.local [hbm:s0], $0xC38  }
0x18: {  	_ =	swait.ge [sflag:s8], $0xC38  }
0x19: {  	[sflag:s8] =	ssyncset.done $0x0  }
0x1a: {  	[sflag:s8] =	ssyncadd.s32 $0xFFFFF3C8  }
0x1b: {  	s15 =	simm.s32 $0x0;
	[bflag:$0x0] =	sbarrier.arrive $0xFFFF  }
0x1c: {  	[spmem:s3] =	stream.indirect.scatter.add.f32 [tilespmem:s9], [sflag:$0x1], $0x8, s15, s12, $0xb8;
	[tilespmem:$0xC7C0] =	vst v63  }
0x1d: {  	_ =	swait.ge [sflag:s8], $0x400  }
0x1e: {  	s15 =	simm.s32 $0x200;
	[sflag:s8] =	ssyncset.done $0x0  }
.LBB2_2:
0x1f: {  	s16 =	sshra.s32 s15, $0x2;
	[sflag:s8] =	ssyncadd.s32 $0xFFFFFC00;
	p0 =	sne.s32 s15, $0x18600  }
0x20: {  	[spmem:s3] =	stream.indirect.scatter.add.f32 [tilespmem:s9], [sflag:$0x1], $0x8, s16, s12, $0xb8;
	[tilespmem:$0xC7C0] =	vst v63  }
.Ltmp0:
0x21: {  	_ = 	snop;
	(pc) =	sbr.rel @p0 .LBB2_2-.Ltmp0, $4  }
0x22: {  	_ = 	snop  }
0x23: {  	s15 =	sadd.s32 $0x200, s15  }
0x24: {  	_ =	swait.ge [sflag:s8], $0x400  }
0x25: {  	[sflag:s8] =	ssyncset.done $0x0  }
0x26: {  	s14 =	sadd.s32 $0x1, s14  }
0x27: {  	[sflag:s8] =	ssyncadd.s32 $0xFFFFFC00;
	p0 =	sne.s32 s14, s7  }
.Ltmp1:
0x28: {  	[bflag:$0x0] =	sbarrier.arrive $0xFFFF;
	(pc) =	sbr.rel @p0 .LBB2_1-.Ltmp1, $4  }
0x29: {  	[hbm:s13], [sflag:s10] =	dma.local [spmem:s11], $0xC38  }
0x2a: {  	_ =	swait.ge [sflag:s8], $0xC38  }
0x2b: {  	[sflag:s8] =	ssyncset.done $0x0  }
0x2c: {  	[sflag:s8] =	ssyncadd.s32 $0xFFFFF3C8  }
0x2d: {  	_ =	sfence.sel $0x180000  }
0x2e: {  	[bflag:$0x0] =	sbarrier.arrive $0xFFFF  }
0x2f: {  	p0 =	sne.s32 s2, $0x0;
	_ =	strace $0x90000047  }
0x30: {  	s0 =	sadd.s32 @!p0 $0x100000, s1;
	[bflag:$0x2] =	sbarrier.arrive $0xFFFF  }
0x31: {  	[sflag:s0] =	ssyncadd.tile.s32 @!p0 $0x1;
	_ =	shalt  }
.Lfunc_end2:
_tile_overlayer_lowered:
.L_overlay_start_2:
0x32: {  	(tag) =	ssettag $0x2  }
0x33: {  	s0 =	rddreg [dreg:$0x0];
	s2 =	stileid.u32  }
0x34: {  	s1 =	rddreg [dreg:$0x1];
	p0 =	sne.s32 s2, $0x0  }
0x35: {  	s3 =	rddreg [dreg:$0x2];
	[bflag:$0x3] =	sbarrier.arrive $0xFFFF;
	s2 =	simm.s32 @!p0 $0x1C01  }
0x36: {  	[timem:s3], [sflag:s2] =	dma.local @!p0 [hbm:s0], s1  }
0x37: {  	s0 =	simm.s32 @!p0 $0x1  }
0x38: {  	_ =	swait.ge @!p0 [sflag:s0], s1  }
0x39: {  	s1 =	ssub.s32 @!p0 $0x0, s1;
	[sflag:s0] =	ssyncset.done @!p0 $0x0  }
0x3a: {  	[sflag:s0] =	ssyncadd.s32 @!p0 s1  }
0x3b: {  	[bflag:$0x3] =	sbarrier.arrive $0xFFFF  }
0x3c: {  	_ =	shalt  }

// kernel: kernel.9.cloned.1.call-start
scs
__scs_entry_jumppad:
0x0: {  	(pc) =	sbr.rel $0x88, $3  }
0x1: {  	(tag) =	ssettag $0x0;
	lr =	simm.s32 $0x1  }
0x2: {  	[smem:$0x3F9B] =	sst lr;
	_ =	strace $0xD0000000  }
0x3: {  	_ = 	snop  }
0x4: {  	_ = 	snop  }
0x5: {  	_ = 	snop  }
0x6: {  	_ = 	snop  }
0x7: {  	_ = 	snop  }
__scs_overlays_trampoline_lowered:
0x8: {  	[smem:$0x3FAA] =	sst s0  }
0x9: {  	[smem:$0x3FAB] =	sst s1  }
0xa: {  	[smem:$0x3FAC] =	sst s2  }
0xb: {  	[smem:$0x3FAD] =	sst s3  }
0xc: {  	[smem:$0x3FAE] =	sst s4  }
0xd: {  	[smem:$0x3FAF] =	sst s5  }
0xe: {  	[smem:$0x3FB0] =	sst s6  }
0xf: {  	[smem:$0x3FB1] =	sst s7  }
0x10: {  	[smem:$0x3FB2] =	sst s8  }
0x11: {  	[smem:$0x3FB3] =	sst s9;
	s0 =	simm.s32 @!p0 $0x0  }
0x12: {  	s1 =	sld [smem:$0x3F99];
	s0 =	simm.s32 @p0 $0x1  }
0x13: {  	[smem:$0x3FB4] =	sst s0;
	s0 =	simm.s32 @!p1 $0x0  }
0x14: {  	s2 =	sld [smem:$0x3F98];
	s0 =	simm.s32 @p1 $0x1  }
0x15: {  	[smem:$0x3FB5] =	sst s0;
	s0 =	simm.s32 @!p2 $0x0  }
0x16: {  	s3 =	sld [smem:$0x3FDB];
	s0 =	simm.s32 @p2 $0x1  }
0x17: {  	s4 =	simm.s32 $0x1BF5;
	[smem:$0x3FB7] =	sst s0  }
0x18: {  	s0 =	sld [smem:$0x3F9A];
	_ =	swait.ge [sflag:s4], $0x0  }
0x19: {  	s7 =	sld [smem:$0x3F9B]  }
0x1a: {  	s8 =	sadd.s32 $0xFFFFE003, lr  }
0x1b: {  	s9 =	sadd.s32 $0xFFFFFEF7, lr;
	s5 =	simm.s32 $0xFFFFFFFF;
	p2 =	slt.u32 s8, $0xFFFFF086  }
0x1c: {  	p1 =	slt.u32 s9, $0xF7A;
	s5 =	simm.s32 @!p2 $0x0  }
0x1d: {  	s5 =	simm.s32 @p1 $0x1;
	p0 =	seq.s32 s7, s2  }
0x1e: {  	s7 =	smul.u32 @!p0 $0xF7A, s2;
	p2 =	seq.s32 @!p0 s5, $0x0  }
0x1f: {  	s9 =	smul.u32 $0xF7A, s1;
	s8 =	simm.s32 @!p0 $0x1BF5;
	p2 =	por !p2, p0  }
0x20: {  	[sflag:s8] =	ssyncset.s32 @!p0 $0xFFFFF086;
	s6 =	sadd.s32 @!p0 s3, s7;
	s7 =	simm.s32 @!p0 $0x108  }
0x21: {  	s3 =	sadd.s32 s3, s9;
	s6 =	sadd.s32 @!p0 $0x88, s6;
	s7 =	simm.s32 @p2 $0x1082  }
0x22: {  	[simem:s7], [sflag:s8] =	dma.local @!p0 [hbm:s6], $0xF7A  }
0x23: {  	s9 =	sor.u32 $0xD0000000, s2;
	s6 =	simm.s32 $0x108;
	_ =	swait.ge @!p0 [sflag:s8], $0x0  }
0x24: {  	s3 =	sadd.s32 $0x88, s3;
	s6 =	simm.s32 @!p1 $0x1082;
	[sflag:s4] =	ssyncset.s32 $0xFFFFF086  }
0x25: {  	[simem:s6], [sflag:s4] =	dma.local [hbm:s3], $0xF7A  }
0x26: {  	[smem:$0x3F9B] =	sst s1;
	(tag) =	ssettag s2;
	_ =	strace s9  }
0x27: {  	s1 =	sld [smem:$0x3FAB]  }
0x28: {  	s2 =	sld [smem:$0x3FAC]  }
0x29: {  	s4 =	sld [smem:$0x3FAE]  }
0x2a: {  	p0 =	seq.s32 s5, $0x0;
	s5 =	sld [smem:$0x3FAF]  }
0x2b: {  	s6 =	sld [smem:$0x3FB0]  }
0x2c: {  	s7 =	sld [smem:$0x3FB1]  }
0x2d: {  	s3 =	simm.s32 $0x108;
	s8 =	sld [smem:$0x3FB2]  }
0x2e: {  	s3 =	simm.s32 @!p0 $0x1082;
	s9 =	sld [smem:$0x3FB3]  }
0x2f: {  	lr =	sadd.s32 s0, s3;
	s0 =	sld [smem:$0x3FAA]  }
0x30: {  	s3 =	sld [smem:$0x3FAD]  }
0x31: {  	[smem:$0x3FB6] =	sst s10  }
0x32: {  	s10 =	sld [smem:$0x3FB4];
	_ =	sdelay $0x3  }
0x33: {  	p0 =	seq.s32 s10, $0x1;
	s10 =	sld [smem:$0x3FB6];
	_ =	sdelay $0x3  }
0x34: {  	[smem:$0x3FB6] =	sst s10  }
0x35: {  	s10 =	sld [smem:$0x3FB5];
	_ =	sdelay $0x3  }
0x36: {  	p1 =	seq.s32 s10, $0x1;
	s10 =	sld [smem:$0x3FB6];
	_ =	sdelay $0x3  }
0x37: {  	[smem:$0x3FB6] =	sst s10  }
0x38: {  	s10 =	sld [smem:$0x3FB7]  }
0x39: {  	_ = 	snop;
	(pc) =	sbr.ind lr, $3  }
0x3a: {  	_ = 	snop  }
0x3b: {  	_ = 	snop  }
0x3c: {  	p2 =	seq.s32 s10, $0x1;
	s10 =	sld [smem:$0x3FB6]  }
0x3d: {  	_ =	shalt  }
0x3e: {  	_ =	shalt  }
0x3f: {  	_ =	shalt  }
0x40: {  	_ =	shalt  }
0x41: {  	_ =	shalt  }
0x42: {  	_ =	shalt  }
0x43: {  	_ =	shalt  }
0x44: {  	_ =	shalt  }
0x45: {  	_ =	shalt  }
0x46: {  	_ =	shalt  }
0x47: {  	_ =	shalt  }
0x48: {  	_ =	shalt  }
0x49: {  	_ =	shalt  }
0x4a: {  	_ =	shalt  }
0x4b: {  	_ =	shalt  }
0x4c: {  	_ =	shalt  }
0x4d: {  	_ =	shalt  }
0x4e: {  	_ =	shalt  }
0x4f: {  	_ =	shalt  }
0x50: {  	_ =	shalt  }
0x51: {  	_ =	shalt  }
0x52: {  	_ =	shalt  }
0x53: {  	_ =	shalt  }
0x54: {  	_ =	shalt  }
0x55: {  	_ =	shalt  }
0x56: {  	_ =	shalt  }
0x57: {  	_ =	shalt  }
0x58: {  	_ =	shalt  }
0x59: {  	_ =	shalt  }
0x5a: {  	_ =	shalt  }
0x5b: {  	_ =	shalt  }
0x5c: {  	_ =	shalt  }
0x5d: {  	_ =	shalt  }
0x5e: {  	_ =	shalt  }
0x5f: {  	_ =	shalt  }
0x60: {  	_ =	shalt  }
0x61: {  	_ =	shalt  }
0x62: {  	_ =	shalt  }
0x63: {  	_ =	shalt  }
0x64: {  	_ =	shalt  }
0x65: {  	_ =	shalt  }
0x66: {  	_ =	shalt  }
0x67: {  	_ =	shalt  }
0x68: {  	_ =	shalt  }
0x69: {  	_ =	shalt  }
0x6a: {  	_ =	shalt  }
0x6b: {  	_ =	shalt  }
0x6c: {  	_ =	shalt  }
0x6d: {  	_ =	shalt  }
0x6e: {  	_ =	shalt  }
0x6f: {  	_ =	shalt  }
0x70: {  	_ =	shalt  }
0x71: {  	_ =	shalt  }
0x72: {  	_ =	shalt  }
0x73: {  	_ =	shalt  }
0x74: {  	_ =	shalt  }
0x75: {  	_ =	shalt  }
0x76: {  	_ =	shalt  }
0x77: {  	_ =	shalt  }
0x78: {  	_ =	shalt  }
0x79: {  	_ =	shalt  }
0x7a: {  	_ =	shalt  }
0x7b: {  	_ =	shalt  }
0x7c: {  	_ =	shalt  }
0x7d: {  	_ =	shalt  }
0x7e: {  	_ =	shalt  }
0x7f: {  	_ =	shalt  }
0x80: {  	_ =	shalt  }
0x81: {  	_ =	shalt  }
0x82: {  	_ =	shalt  }
0x83: {  	_ =	shalt  }
0x84: {  	_ =	shalt  }
0x85: {  	_ =	shalt  }
0x86: {  	_ =	shalt  }
0x87: {  	_ =	shalt  }
.Lfunc_end0:
.L_simem_size_0:
called_computation.1_lowered:
.L_overlay_start_0:
0x88: {  	s2 =	sld [smem:$0x3FD9]  }
0x89: {  	s3 =	sld [smem:$0x3FFE];
	_ =	sdelay $0x1  }
0x8a: {  	s1 =	srdreg.scid  }
0x8b: {  	s0 =	sand.u32 $0x1, s1  }
0x8c: {  	s14 =	sshll.u32 s0, $0xA;
	s2 =	sadd.s32 s3, s2  }
0x8d: {  	s2 =	sadd.s32 s2, s14  }
0x8e: {  	[smem:$0x3FC2] =	sst s2  }
0x8f: {  	_ = 	snop  }
0x90: {  	s2 =	sld [smem:$0x3FD0];
	_ =	sdelay $0x2  }
0x91: {  	s15 =	simm.s32 $0xA;
	s4 =	simm.s32 $0x10  }
0x92: {  	[smem:s4], [sflag:s15] =	dma.local [hbm:s2], $0x1  }
0x93: {  	_ =	swait.eq [sflag:s15], $0x1  }
0x94: {  	[sflag:s15] =	ssyncset.done $0x0  }
0x95: {  	[sflag:s15] =	ssyncadd.s32 $0xFFFFFFFF  }
0x96: {  	s16 =	sld [smem:$0x10];
	(tm) =	ssettm $0x1  }
0x97: {  	s17 =	sld [smem:$0x3FFB];
	_ =	sdelay $0x3  }
0x98: {  	_ =	strace s17  }
0x99: {  	s3 =	sld [smem:$0x3FFC];
	_ =	sdelay $0x3  }
0x9a: {  	_ =	strace s3  }
0x9b: {  	s3 =	sld [smem:$0x3FFD];
	_ =	sdelay $0x3  }
0x9c: {  	_ =	strace s3  }
0x9d: {  	_ =	strace $0x8FFFFFFF  }
0x9e: {  	s18 =	sld [smem:$0x3FDB];
	_ =	sdelay $0x1  }
0x9f: {  	s19 =	simm.s32 $_scs_section_size  }
0xa0: {  	s5 =	simm.s32 $_size__tile_overlayer_lowered;
	s6 =	simm.s32 $_tile_overlayer_lowered  }
0xa1: {  	s22 =	simm.s32 $0x1BFF;
	s21 =	sshll.u32 s6, $0x1;
	s3 =	sadd.s32 s19, s18  }
0xa2: {  	s7 =	simm.s32 $0x0;
	s20 =	sshll.u32 s5, $0x1;
	s5 =	sadd.s32 s21, s3  }
0xa3: {  	[timem:s7], [sflag:s22] =	dma.local [hbm:s5], s20  }
0xa4: {  	_ =	swait.ge [sflag:s22], s20  }
0xa5: {  	s4 =	ssub.s32 $0x0, s20;
	[sflag:s22] =	ssyncset.done $0x0  }
0xa6: {  	[sflag:s22] =	ssyncadd.s32 s4;
	_ =	sdelay $0x1  }
0xa7: {  	s23 =	simm.s32 $0x1B8B  }
0xa8: {  	_ =	swait.ge [sflag:s23], $0x1  }
0xa9: {  	[sflag:s23] =	ssyncset.done $0x0  }
0xaa: {  	s25 =	simm.s32 $0x1B8E;
	s24 =	sld [smem:$0x3FFE];
	[sflag:s23] =	ssyncadd.s32 $0xFFFFFFFF  }
0xab: {  	s26 =	simm.s32 $execute0_lowered;
	[smem:$0x3FD2] =	sst s25  }
0xac: {  	s5 =	sshll.u32 s26, $0x1;
	_ =	strace $0x80000049;
	[dreg:$0x1] =	wrdreg $0xFFFFFFFF  }
0xad: {  	s28 =	simm.s32 $_size_execute0_lowered;
	s3 =	sadd.s32 s3, s5;
	[dreg:$0x0] =	wrdreg $0x0  }
0xae: {  	s5 =	sshll.u32 s28, $0x1;
	[dreg:$0x2] =	wrdreg s3  }
0xaf: {  	[dreg:$0x3] =	wrdreg s5  }
0xb0: {  	[dreg:$0x4] =	wrdreg $0xC0  }
0xb1: {  	_ =	task [dreg:s7], $0x5FFFF  }
0xb2: {  	[dreg:$0x1] =	wrdreg $0xFFFFFFFF  }
0xb3: {  	[dreg:$0x0] =	wrdreg $0x60  }
0xb4: {  	[dreg:$0x2] =	wrdreg s24  }
0xb5: {  	[dreg:$0x3] =	wrdreg s16  }
0xb6: {  	[dreg:$0x4] =	wrdreg $0x5C000  }
0xb7: {  	[dreg:$0x5] =	wrdreg $0x9  }
0xb8: {  	_ =	task.clear_ibuf [dreg:s7], $0x6FFFF;
	_ =	strace $0x90000049  }
0xb9: {  	s29 =	simm.s32 $0x9;
	_ =	strace $0x8000004B  }
0xba: {  	_ =	swait.ge [sflag:s29], $0x1  }
0xbb: {  	[sflag:s29] =	ssyncadd.s32 $0xFFFFFFFF  }
0xbc: {  	_ =	strace $0x9000004B  }
0xbd: {  	_ =	sfence  }
0xbe: {  	s30 =	sld [smem:$0x0];
	_ =	sdelay $0x2  }
0xbf: {  	s31 =	sshll.u32 s1, $0xD;
	s1 =	sshrl.u32 s1, $0x2  }
0xc0: {  	s3 =	sand.u32 $0x4000, s31;
	s1 =	sadd.s32 s1, s30  }
0xc1: {  	s0 =	sor.u32 s3, s0;
	s1 =	sshll.u32 s1, $0x11  }
0xc2: {  	s0 =	sor.u32 s1, s0  }
0xc3: {  	s0 =	sadd.s32 $0x8F2B, s0  }
0xc4: {  	[sflag:s0] =	ssyncadd.remote.s32 $0x1  }
0xc5: {  	_ =	sfence.sel $0xFFFF  }
0xc6: {  	[dreg:$0x0] =	wrdreg $0xFFFFFFFF;
	(pc) =	sbr.abs _section_cstart, $3  }
0xc7: {  	[dreg:$0x1] =	wrdreg $0xFFFFFFFF  }
0xc8: {  	_ =	task.clear_ibuf [dreg:s7], $0x2FFFF;
	_ =	strace $0x9FFFFFFF  }
0xc9: {  	(tm) =	ssettm $0x7FFFFFFF  }
tec
execute0_lowered:
.L_overlay_start_1:
0x0: {  	(tag) =	ssettag $0x1  }
0x1: {  	s0 =	srdreg.scid;
	s1 =	rddreg [dreg:$0x0]  }
0x2: {  	s12 =	stileid.u32;
	s2 =	rddreg [dreg:$0x1]  }
0x3: {  	s5 =	simm.s32 $0x0;
	s15 =	simm.s32 $0x5;
	s16 =	simm.s32 $0xE00  }
0x4: {  	s17 =	simm.s32 $0x80;
	s18 =	simm.s32 $0x1C00;
	s19 =	simm.s32 $0x2C00  }
0x5: {  	s20 =	simm.s32 $0x100;
	s21 =	simm.s32 $0x3C00;
	s22 =	simm.s32 $0x180  }
0x6: {  	s28 =	simm.s32 $0x4;
	s29 =	simm.s32 $0x1A00;
	s30 =	simm.s32 $0x1A80  }
0x7: {  	s31 =	simm.s32 $0x1B00;
	s0 =	sand.u32 $0x1, s0;
	s9 =	smul.u32 $0x61C00, s12  }
0x8: {  	[smem:$0x7FF] =	sst s5;
	s6 =	sadd.s32 $0x32D800, s1;
	s25 =	sshll.u32 s12, $0x6  }
0x9: {  	s3 =	sshll.u32 s0, $0x4;
	s8 =	smul.u32 $0x61C000, s0;
	s0 =	ssub.s32 $0x2, s0  }
0xa: {  	s4 =	sor.u32 s12, s3;
	s3 =	rddreg [dreg:$0x2];
	_ =	strace $0x8000004A  }
0xb: {  	s23 =	sshrl.u32 s0, $0x1;
	s12 =	sor.u32 $0x1C05, s25;
	s25 =	simm.s32 $0x2  }
0xc: {  	s4 =	smul.u32 $0x6200, s4;
	s11 =	sadd.s32 s9, s8;
	s8 =	sadd.s32 $0x1D200, s1  }
0xd: {  	s9 =	sshrl.u32 s9, $0x2;
	s0 =	ssub.s32 s0, s23;
	s23 =	simm.s32 $0x4C00  }
0xe: {  	[dreg:$0x4] =	wrdreg s12;
	s11 =	sshrl.u32 s11, $0x4;
	s0 =	smax.u32 s0, $0x1  }
0xf: {  	s24 =	sadd.s32 s9, s3;
	s7 =	sshrl.u32 s4, $0x3;
	[dreg:$0x7] =	wrdreg s0  }
0x10: {  	s10 =	sadd.s32 s7, s1;
	s7 =	sadd.s32 $0x20400, s1;
	s1 =	sadd.s32 s11, s1  }
0x11: {  	s14 =	sshrl.u32 s24, $0x3;
	s24 =	simm.s32 $0x1;
	s26 =	sadd.s32 $0x51200, s1  }
0x12: {  	s10 =	sadd.s32 $0x4800, s10;
	s1 =	sadd.s32 $0x51204, s1;
	[dreg:$0x5] =	wrdreg s26  }
0x13: {  	[dreg:$0x6] =	wrdreg s1;
	s26 =	simm.s32 $0x3;
	s1 =	simm.s32 $0x1B80  }
.LBB2_1:
0x14: {  	[spmem:s14], [sflag:s12] =	dma.local [hbm:s8], $0x30E0  }
0x15: {  	_ =	swait.ge [sflag:s15], $0x30E0  }
0x16: {  	[sflag:s15] =	ssyncset.done $0x0  }
0x17: {  	[sflag:s15] =	ssyncadd.s32 $0xFFFFCF20  }
0x18: {  	s11 =	simm.s32 $0x0;
	[bflag:$0x0] =	sbarrier.arrive $0xFFFF  }
.LBB2_2:
0x19: {  	s0 =	smul.u32 $0xE00, s11;
	_ =	sdelay $0x1  }
0x1a: {  	s0 =	sadd.s32 s4, s0  }
0x1b: {  	s0 =	sshrl.u32 s0, $0x3  }
0x1c: {  	s12 =	simm.s32 $0x0;
	s0 =	sadd.s32 s6, s0  }
0x1d: {  	[tilespmem:s12], [sflag:$0x5] =	stream.linear.gather [hbm4b:s0+s12], $0xE00, $0x38;
	[tilespmem:$0x1E300] =	vst v63  }
0x1e: {  	s9 =	smul.u32 $0x1C0, s11;
	_ =	swait.ge [sflag:s15], $0xE00  }
0x1f: {  	[sflag:s15] =	ssyncset.done $0x0  }
0x20: {  	s0 =	sadd.s32 s9, s10;
	[sflag:s15] =	ssyncadd.s32 $0xFFFFF200  }
0x21: {  	[tilespmem:s16], [sflag:$0x5] =	stream.linear.gather [hbm4b:s0+s12], $0xE00, $0x38;
	[tilespmem:$0x1E300] =	vst v63  }
0x22: {  	_ =	swait.ge [sflag:s15], $0xE00  }
0x23: {  	[sflag:s15] =	ssyncset.done $0x0  }
0x24: {  	[sflag:s15] =	ssyncadd.s32 $0xFFFFF200  }
0x25: {  	[tilespmem:s18], [sflag:$0x1] =	stream.indirect.gather [hbm4b:s2+s17], $0x20, s12, s17, $0xb8;
	[tilespmem:$0x1E300] =	vst v63  }
0x26: {  	_ = 	snop  }
0x27: {  	[tilespmem:s19], [sflag:$0x2] =	stream.indirect.gather [hbm4b:s2+s17], $0x20, s17, s17, $0xb8;
	[tilespmem:$0x1E300] =	vst v63  }
0x28: {  	_ = 	snop  }
0x29: {  	[tilespmem:s21], [sflag:$0x3] =	stream.indirect.gather [hbm4b:s2+s17], $0x20, s20, s17, $0xb8;
	[tilespmem:$0x1E300] =	vst v63  }
0x2a: {  	_ = 	snop  }
0x2b: {  	[tilespmem:s23], [sflag:$0x4] =	stream.indirect.gather [hbm4b:s2+s17], $0x20, s22, s17, $0xb8;
	[tilespmem:$0x1E300] =	vst v63  }
0x2c: {  	_ =	swait.ge [sflag:s24], $0x1000  }
0x2d: {  	[sflag:s24] =	ssyncset.done $0x0  }
0x2e: {  	s13 =	simm.s32 $0xE00;
	[sflag:s24] =	ssyncadd.s32 $0xFFFFF000  }
0x2f: {  	[spmem:s3] =	stream.indirect.scatter.add.bf16 [tilespmem:s18], [sflag:$0x5], $0x20, s13, s17, $0xb8;
	[tilespmem:$0x1E300] =	vst v63  }
0x30: {  	_ =	swait.ge [sflag:s15], $0x1000  }
0x31: {  	[sflag:s15] =	ssyncset.done $0x0  }
0x32: {  	s9 =	simm.s32 $0x200;
	[sflag:s15] =	ssyncadd.s32 $0xFFFFF000  }
0x33: {  	[tilespmem:s18], [sflag:$0x1] =	stream.indirect.gather [hbm4b:s2+s17], $0x20, s9, s17, $0xb8;
	[tilespmem:$0x1E300] =	vst v63  }
0x34: {  	_ =	swait.ge [sflag:s25], $0x1000  }
0x35: {  	[sflag:s25] =	ssyncset.done $0x0  }
0x36: {  	s12 =	simm.s32 $0xE80;
	[sflag:s25] =	ssyncadd.s32 $0xFFFFF000  }
0x37: {  	[spmem:s3] =	stream.indirect.scatter.add.bf16 [tilespmem:s19], [sflag:$0x5], $0x20, s12, s17, $0xb8;
	[tilespmem:$0x1E300] =	vst v63  }
0x38: {  	_ =	swait.ge [sflag:s15], $0x1000  }
0x39: {  	[sflag:s15] =	ssyncset.done $0x0  }
0x3a: {  	s13 =	simm.s32 $0x280;
	[sflag:s15] =	ssyncadd.s32 $0xFFFFF000  }
0x3b: {  	[tilespmem:s19], [sflag:$0x2] =	stream.indirect.gather [hbm4b:s2+s17], $0x20, s13, s17, $0xb8;
	[tilespmem:$0x1E300] =	vst v63  }
0x3c: {  	_ =	swait.ge [sflag:s26], $0x1000  }
0x3d: {  	[sflag:s26] =	ssyncset.done $0x0  }
0x3e: {  	s9 =	simm.s32 $0xF00;
	[sflag:s26] =	ssyncadd.s32 $0xFFFFF000  }
0x3f: {  	[spmem:s3] =	stream.indirect.scatter.add.bf16 [tilespmem:s21], [sflag:$0x5], $0x20, s9, s17, $0xb8;
	[tilespmem:$0x1E300] =	vst v63  }
0x40: {  	_ =	swait.ge [sflag:s15], $0x1000  }
0x41: {  	[sflag:s15] =	ssyncset.done $0x0  }
0x42: {  	s12 =	simm.s32 $0x300;
	[sflag:s15] =	ssyncadd.s32 $0xFFFFF000  }
0x43: {  	[tilespmem:s21], [sflag:$0x3] =	stream.indirect.gather [hbm4b:s2+s17], $0x20, s12, s17, $0xb8;
	[tilespmem:$0x1E300] =	vst v63  }
0x44: {  	_ =	swait.ge [sflag:s28], $0x1000  }
0x45: {  	[sflag:s28] =	ssyncset.done $0x0  }
0x46: {  	s13 =	simm.s32 $0xF80;
	[sflag:s28] =	ssyncadd.s32 $0xFFFFF000  }
0x47: {  	[spmem:s3] =	stream.indirect.scatter.add.bf16 [tilespmem:s23], [sflag:$0x5], $0x20, s13, s17, $0xb8;
	[tilespmem:$0x1E300] =	vst v63  }
0x48: {  	_ =	swait.ge [sflag:s15], $0x1000  }
0x49: {  	[sflag:s15] =	ssyncset.done $0x0  }
0x4a: {  	s0 =	simm.s32 $0x380;
	s12 =	simm.s32 $0x800;
	[sflag:s15] =	ssyncadd.s32 $0xFFFFF000  }
.LBB2_3:
0x4b: {  	[tilespmem:s23], [sflag:$0x4] =	stream.indirect.gather [hbm4b:s2+s17], $0x20, s0, s17, $0xb8;
	[tilespmem:$0x1E300] =	vst v63  }
0x4c: {  	s0 =	smov.u32 s12  }
0x4d: {  	p0 =	sne.s32 s12, $0x2800;
	s12 =	sadd.s32 $0x800, s12;
	_ =	swait.ge [sflag:s24], $0x1000  }
0x4e: {  	s13 =	sshra.s32 s0, $0x2;
	[sflag:s24] =	ssyncset.done $0x0  }
0x4f: {  	s0 =	sadd.s32 $0xE00, s13;
	[sflag:s24] =	ssyncadd.s32 $0xFFFFF000  }
0x50: {  	[spmem:s3] =	stream.indirect.scatter.add.bf16 [tilespmem:s18], [sflag:$0x5], $0x20, s0, s17, $0xb8;
	[tilespmem:$0x1E300] =	vst v63  }
0x51: {  	_ =	swait.ge [sflag:s15], $0x1000  }
0x52: {  	[sflag:s15] =	ssyncset.done $0x0  }
0x53: {  	s0 =	sadd.s32 $0x200, s13;
	[sflag:s15] =	ssyncadd.s32 $0xFFFFF000  }
0x54: {  	[tilespmem:s18], [sflag:$0x1] =	stream.indirect.gather [hbm4b:s2+s17], $0x20, s0, s17, $0xb8;
	[tilespmem:$0x1E300] =	vst v63  }
0x55: {  	_ =	swait.ge [sflag:s25], $0x1000  }
0x56: {  	[sflag:s25] =	ssyncset.done $0x0  }
0x57: {  	s0 =	sadd.s32 $0xE80, s13;
	[sflag:s25] =	ssyncadd.s32 $0xFFFFF000  }
0x58: {  	[spmem:s3] =	stream.indirect.scatter.add.bf16 [tilespmem:s19], [sflag:$0x5], $0x20, s0, s17, $0xb8;
	[tilespmem:$0x1E300] =	vst v63  }
0x59: {  	_ =	swait.ge [sflag:s15], $0x1000  }
0x5a: {  	[sflag:s15] =	ssyncset.done $0x0  }
0x5b: {  	s0 =	sadd.s32 $0x280, s13;
	[sflag:s15] =	ssyncadd.s32 $0xFFFFF000  }
0x5c: {  	[tilespmem:s19], [sflag:$0x2] =	stream.indirect.gather [hbm4b:s2+s17], $0x20, s0, s17, $0xb8;
	[tilespmem:$0x1E300] =	vst v63  }
0x5d: {  	_ =	swait.ge [sflag:s26], $0x1000  }
0x5e: {  	[sflag:s26] =	ssyncset.done $0x0  }
0x5f: {  	s0 =	sadd.s32 $0xF00, s13;
	[sflag:s26] =	ssyncadd.s32 $0xFFFFF000  }
0x60: {  	[spmem:s3] =	stream.indirect.scatter.add.bf16 [tilespmem:s21], [sflag:$0x5], $0x20, s0, s17, $0xb8;
	[tilespmem:$0x1E300] =	vst v63  }
0x61: {  	_ =	swait.ge [sflag:s15], $0x1000  }
0x62: {  	[sflag:s15] =	ssyncset.done $0x0  }
0x63: {  	s0 =	sadd.s32 $0x300, s13;
	[sflag:s15] =	ssyncadd.s32 $0xFFFFF000  }
0x64: {  	[tilespmem:s21], [sflag:$0x3] =	stream.indirect.gather [hbm4b:s2+s17], $0x20, s0, s17, $0xb8;
	[tilespmem:$0x1E300] =	vst v63  }
0x65: {  	_ =	swait.ge [sflag:s28], $0x1000  }
0x66: {  	[sflag:s28] =	ssyncset.done $0x0  }
.Ltmp0:
0x67: {  	s0 =	sadd.s32 $0xF80, s13;
	[sflag:s28] =	ssyncadd.s32 $0xFFFFF000;
	(pc) =	sbr.rel @p0 .LBB2_3-.Ltmp0, $4  }
0x68: {  	[spmem:s3] =	stream.indirect.scatter.add.bf16 [tilespmem:s23], [sflag:$0x5], $0x20, s0, s17, $0xb8;
	[tilespmem:$0x1E300] =	vst v63  }
0x69: {  	_ =	swait.ge [sflag:s15], $0x1000  }
0x6a: {  	[sflag:s15] =	ssyncset.done $0x0  }
0x6b: {  	s0 =	sadd.s32 $0x380, s13;
	[sflag:s15] =	ssyncadd.s32 $0xFFFFF000  }
0x6c: {  	[tilespmem:s23], [sflag:$0x4] =	stream.indirect.gather [hbm4b:s2+s17], $0x20, s0, s17, $0xb8;
	[tilespmem:$0x1E300] =	vst v63  }
0x6d: {  	_ =	swait.ge [sflag:s24], $0x1000  }
0x6e: {  	[sflag:s24] =	ssyncset.done $0x0  }
0x6f: {  	[sflag:s24] =	ssyncadd.s32 $0xFFFFF000  }
0x70: {  	[spmem:s3] =	stream.indirect.scatter.add.bf16 [tilespmem:s18], [sflag:$0x5], $0x20, s29, s17, $0xb8;
	[tilespmem:$0x1E300] =	vst v63  }
0x71: {  	_ =	swait.ge [sflag:s15], $0x1000  }
0x72: {  	[sflag:s15] =	ssyncset.done $0x0  }
0x73: {  	[sflag:s15] =	ssyncadd.s32 $0xFFFFF000  }
0x74: {  	_ =	swait.ge [sflag:s25], $0x1000  }
0x75: {  	[sflag:s25] =	ssyncset.done $0x0  }
0x76: {  	[sflag:s25] =	ssyncadd.s32 $0xFFFFF000  }
0x77: {  	[spmem:s3] =	stream.indirect.scatter.add.bf16 [tilespmem:s19], [sflag:$0x5], $0x20, s30, s17, $0xb8;
	[tilespmem:$0x1E300] =	vst v63  }
0x78: {  	_ =	swait.ge [sflag:s15], $0x1000  }
0x79: {  	[sflag:s15] =	ssyncset.done $0x0  }
0x7a: {  	[sflag:s15] =	ssyncadd.s32 $0xFFFFF000  }
0x7b: {  	_ =	swait.ge [sflag:s26], $0x1000  }
0x7c: {  	[sflag:s26] =	ssyncset.done $0x0  }
0x7d: {  	[sflag:s26] =	ssyncadd.s32 $0xFFFFF000  }
0x7e: {  	[spmem:s3] =	stream.indirect.scatter.add.bf16 [tilespmem:s21], [sflag:$0x5], $0x20, s31, s17, $0xb8;
	[tilespmem:$0x1E300] =	vst v63  }
0x7f: {  	_ =	swait.ge [sflag:s15], $0x1000  }
0x80: {  	[sflag:s15] =	ssyncset.done $0x0  }
0x81: {  	[sflag:s15] =	ssyncadd.s32 $0xFFFFF000  }
0x82: {  	s11 =	sadd.s32 $0x1, s11;
	_ =	swait.ge [sflag:s28], $0x1000  }
0x83: {  	p0 =	sne.s32 s11, $0x7;
	[sflag:s28] =	ssyncset.done $0x0  }
.Ltmp1:
0x84: {  	[sflag:s28] =	ssyncadd.s32 $0xFFFFF000;
	(pc) =	sbr.rel @p0 .LBB2_2-.Ltmp1, $4  }
0x85: {  	[spmem:s3] =	stream.indirect.scatter.add.bf16 [tilespmem:s23], [sflag:$0x5], $0x20, s1, s17, $0xb8;
	[tilespmem:$0x1E300] =	vst v63  }
0x86: {  	_ =	swait.ge [sflag:s15], $0x1000  }
0x87: {  	[sflag:s15] =	ssyncset.done $0x0  }
0x88: {  	[sflag:s15] =	ssyncadd.s32 $0xFFFFF000  }
0x89: {  	[bflag:$0x0] =	sbarrier.arrive $0xFFFF  }
0x8a: {  	s0 =	rddreg [dreg:$0x4]  }
0x8b: {  	s11 =	simm.s32 $0x8;
	s9 =	rddreg [dreg:$0x5]  }
0x8c: {  	[hbm:s9@s11], [sflag:s0] =	dma.strided [spmem:s14@s28], $0x30E0, s24, $0x4   }
0x8d: {  	_ =	swait.ge [sflag:s15], $0x30E0  }
0x8e: {  	[sflag:s15] =	ssyncset.done $0x0  }
0x8f: {  	[sflag:s15] =	ssyncadd.s32 $0xFFFFCF20  }
0x90: {  	[spmem:s14], [sflag:s0] =	dma.local [hbm:s8], $0x30E0  }
0x91: {  	_ =	swait.ge [sflag:s15], $0x30E0  }
0x92: {  	[sflag:s15] =	ssyncset.done $0x0  }
0x93: {  	s12 =	simm.s32 $0x0;
	[sflag:s15] =	ssyncadd.s32 $0xFFFFCF20  }
0x94: {  	s9 =	smov.u32 s8;
	s11 =	simm.s32 $0x0;
	[bflag:$0x0] =	sbarrier.arrive $0xFFFF  }
.LBB2_6:
0x95: {  	s0 =	smul.u32 $0xE00, s12;
	_ =	sdelay $0x1  }
0x96: {  	s0 =	sadd.s32 s4, s0  }
0x97: {  	s0 =	sshrl.u32 s0, $0x3  }
0x98: {  	s0 =	sadd.s32 s6, s0  }
0x99: {  	[tilespmem:s11], [sflag:$0x5] =	stream.linear.gather [hbm4b:s0+s11], $0xE00, $0x38;
	[tilespmem:$0x1E300] =	vst v63  }
0x9a: {  	s8 =	smul.u32 $0x1C0, s12;
	_ =	swait.ge [sflag:s15], $0xE00  }
0x9b: {  	[sflag:s15] =	ssyncset.done $0x0  }
0x9c: {  	s0 =	sadd.s32 s8, s10;
	[sflag:s15] =	ssyncadd.s32 $0xFFFFF200  }
0x9d: {  	[tilespmem:s16], [sflag:$0x5] =	stream.linear.gather [hbm4b:s0+s11], $0xE00, $0x38;
	[tilespmem:$0x1E300] =	vst v63  }
0x9e: {  	_ =	swait.ge [sflag:s15], $0xE00  }
0x9f: {  	[sflag:s15] =	ssyncset.done $0x0  }
0xa0: {  	[sflag:s15] =	ssyncadd.s32 $0xFFFFF200  }
0xa1: {  	[tilespmem:s18], [sflag:$0x1] =	stream.indirect.gather [hbm4b:s7+s17], $0x20, s11, s17, $0xb8;
	[tilespmem:$0x1E300] =	vst v63  }
0xa2: {  	_ = 	snop  }
0xa3: {  	[tilespmem:s19], [sflag:$0x2] =	stream.indirect.gather [hbm4b:s7+s17], $0x20, s17, s17, $0xb8;
	[tilespmem:$0x1E300] =	vst v63  }
0xa4: {  	_ = 	snop  }
0xa5: {  	[tilespmem:s21], [sflag:$0x3] =	stream.indirect.gather [hbm4b:s7+s17], $0x20, s20, s17, $0xb8;
	[tilespmem:$0x1E300] =	vst v63  }
0xa6: {  	_ = 	snop  }
0xa7: {  	[tilespmem:s23], [sflag:$0x4] =	stream.indirect.gather [hbm4b:s7+s17], $0x20, s22, s17, $0xb8;
	[tilespmem:$0x1E300] =	vst v63  }
0xa8: {  	_ =	swait.ge [sflag:s24], $0x1000  }
0xa9: {  	[sflag:s24] =	ssyncset.done $0x0  }
0xaa: {  	s13 =	simm.s32 $0xE00;
	[sflag:s24] =	ssyncadd.s32 $0xFFFFF000  }
0xab: {  	[spmem:s3] =	stream.indirect.scatter.add.bf16 [tilespmem:s18], [sflag:$0x5], $0x20, s13, s17, $0xb8;
	[tilespmem:$0x1E300] =	vst v63  }
0xac: {  	_ =	swait.ge [sflag:s15], $0x1000  }
0xad: {  	[sflag:s15] =	ssyncset.done $0x0  }
0xae: {  	s8 =	simm.s32 $0x200;
	[sflag:s15] =	ssyncadd.s32 $0xFFFFF000  }
0xaf: {  	[tilespmem:s18], [sflag:$0x1] =	stream.indirect.gather [hbm4b:s7+s17], $0x20, s8, s17, $0xb8;
	[tilespmem:$0x1E300] =	vst v63  }
0xb0: {  	_ =	swait.ge [sflag:s25], $0x1000  }
0xb1: {  	[sflag:s25] =	ssyncset.done $0x0  }
0xb2: {  	s13 =	simm.s32 $0xE80;
	[sflag:s25] =	ssyncadd.s32 $0xFFFFF000  }
0xb3: {  	[spmem:s3] =	stream.indirect.scatter.add.bf16 [tilespmem:s19], [sflag:$0x5], $0x20, s13, s17, $0xb8;
	[tilespmem:$0x1E300] =	vst v63  }
0xb4: {  	_ =	swait.ge [sflag:s15], $0x1000  }
0xb5: {  	[sflag:s15] =	ssyncset.done $0x0  }
0xb6: {  	s8 =	simm.s32 $0x280;
	[sflag:s15] =	ssyncadd.s32 $0xFFFFF000  }
0xb7: {  	[tilespmem:s19], [sflag:$0x2] =	stream.indirect.gather [hbm4b:s7+s17], $0x20, s8, s17, $0xb8;
	[tilespmem:$0x1E300] =	vst v63  }
0xb8: {  	_ =	swait.ge [sflag:s26], $0x1000  }
0xb9: {  	[sflag:s26] =	ssyncset.done $0x0  }
0xba: {  	s13 =	simm.s32 $0xF00;
	[sflag:s26] =	ssyncadd.s32 $0xFFFFF000  }
0xbb: {  	[spmem:s3] =	stream.indirect.scatter.add.bf16 [tilespmem:s21], [sflag:$0x5], $0x20, s13, s17, $0xb8;
	[tilespmem:$0x1E300] =	vst v63  }
0xbc: {  	_ =	swait.ge [sflag:s15], $0x1000  }
0xbd: {  	[sflag:s15] =	ssyncset.done $0x0  }
0xbe: {  	s8 =	simm.s32 $0x300;
	[sflag:s15] =	ssyncadd.s32 $0xFFFFF000  }
0xbf: {  	[tilespmem:s21], [sflag:$0x3] =	stream.indirect.gather [hbm4b:s7+s17], $0x20, s8, s17, $0xb8;
	[tilespmem:$0x1E300] =	vst v63  }
0xc0: {  	_ =	swait.ge [sflag:s28], $0x1000  }
0xc1: {  	[sflag:s28] =	ssyncset.done $0x0  }
0xc2: {  	s13 =	simm.s32 $0xF80;
	[sflag:s28] =	ssyncadd.s32 $0xFFFFF000  }
0xc3: {  	[spmem:s3] =	stream.indirect.scatter.add.bf16 [tilespmem:s23], [sflag:$0x5], $0x20, s13, s17, $0xb8;
	[tilespmem:$0x1E300] =	vst v63  }
0xc4: {  	_ =	swait.ge [sflag:s15], $0x1000  }
0xc5: {  	[sflag:s15] =	ssyncset.done $0x0  }
0xc6: {  	s0 =	simm.s32 $0x380;
	s13 =	simm.s32 $0x800;
	[sflag:s15] =	ssyncadd.s32 $0xFFFFF000  }
.LBB2_7:
0xc7: {  	[tilespmem:s23], [sflag:$0x4] =	stream.indirect.gather [hbm4b:s7+s17], $0x20, s0, s17, $0xb8;
	[tilespmem:$0x1E300] =	vst v63  }
0xc8: {  	s0 =	smov.u32 s13  }
0xc9: {  	p0 =	sne.s32 s13, $0x2800;
	s13 =	sadd.s32 $0x800, s13;
	_ =	swait.ge [sflag:s24], $0x1000  }
0xca: {  	s0 =	sshra.s32 s0, $0x2;
	[sflag:s24] =	ssyncset.done $0x0  }
0xcb: {  	s8 =	sadd.s32 $0xE00, s0;
	[sflag:s24] =	ssyncadd.s32 $0xFFFFF000  }
0xcc: {  	[spmem:s3] =	stream.indirect.scatter.add.bf16 [tilespmem:s18], [sflag:$0x5], $0x20, s8, s17, $0xb8;
	[tilespmem:$0x1E300] =	vst v63  }
0xcd: {  	_ =	swait.ge [sflag:s15], $0x1000  }
0xce: {  	[sflag:s15] =	ssyncset.done $0x0  }
0xcf: {  	s8 =	sadd.s32 $0x200, s0;
	[sflag:s15] =	ssyncadd.s32 $0xFFFFF000  }
0xd0: {  	[tilespmem:s18], [sflag:$0x1] =	stream.indirect.gather [hbm4b:s7+s17], $0x20, s8, s17, $0xb8;
	[tilespmem:$0x1E300] =	vst v63  }
0xd1: {  	_ =	swait.ge [sflag:s25], $0x1000  }
0xd2: {  	[sflag:s25] =	ssyncset.done $0x0  }
0xd3: {  	s8 =	sadd.s32 $0xE80, s0;
	[sflag:s25] =	ssyncadd.s32 $0xFFFFF000  }
0xd4: {  	[spmem:s3] =	stream.indirect.scatter.add.bf16 [tilespmem:s19], [sflag:$0x5], $0x20, s8, s17, $0xb8;
	[tilespmem:$0x1E300] =	vst v63  }
0xd5: {  	_ =	swait.ge [sflag:s15], $0x1000  }
0xd6: {  	[sflag:s15] =	ssyncset.done $0x0  }
0xd7: {  	s8 =	sadd.s32 $0x280, s0;
	[sflag:s15] =	ssyncadd.s32 $0xFFFFF000  }
0xd8: {  	[tilespmem:s19], [sflag:$0x2] =	stream.indirect.gather [hbm4b:s7+s17], $0x20, s8, s17, $0xb8;
	[tilespmem:$0x1E300] =	vst v63  }
0xd9: {  	_ =	swait.ge [sflag:s26], $0x1000  }
0xda: {  	[sflag:s26] =	ssyncset.done $0x0  }
0xdb: {  	s8 =	sadd.s32 $0xF00, s0;
	[sflag:s26] =	ssyncadd.s32 $0xFFFFF000  }
0xdc: {  	[spmem:s3] =	stream.indirect.scatter.add.bf16 [tilespmem:s21], [sflag:$0x5], $0x20, s8, s17, $0xb8;
	[tilespmem:$0x1E300] =	vst v63  }
0xdd: {  	_ =	swait.ge [sflag:s15], $0x1000  }
0xde: {  	[sflag:s15] =	ssyncset.done $0x0  }
0xdf: {  	s8 =	sadd.s32 $0x300, s0;
	[sflag:s15] =	ssyncadd.s32 $0xFFFFF000  }
0xe0: {  	[tilespmem:s21], [sflag:$0x3] =	stream.indirect.gather [hbm4b:s7+s17], $0x20, s8, s17, $0xb8;
	[tilespmem:$0x1E300] =	vst v63  }
0xe1: {  	_ =	swait.ge [sflag:s28], $0x1000  }
0xe2: {  	[sflag:s28] =	ssyncset.done $0x0  }
.Ltmp2:
0xe3: {  	s8 =	sadd.s32 $0xF80, s0;
	[sflag:s28] =	ssyncadd.s32 $0xFFFFF000;
	(pc) =	sbr.rel @p0 .LBB2_7-.Ltmp2, $4  }
0xe4: {  	[spmem:s3] =	stream.indirect.scatter.add.bf16 [tilespmem:s23], [sflag:$0x5], $0x20, s8, s17, $0xb8;
	[tilespmem:$0x1E300] =	vst v63  }
0xe5: {  	_ =	swait.ge [sflag:s15], $0x1000  }
0xe6: {  	[sflag:s15] =	ssyncset.done $0x0  }
0xe7: {  	s0 =	sadd.s32 $0x380, s0;
	[sflag:s15] =	ssyncadd.s32 $0xFFFFF000  }
0xe8: {  	[tilespmem:s23], [sflag:$0x4] =	stream.indirect.gather [hbm4b:s7+s17], $0x20, s0, s17, $0xb8;
	[tilespmem:$0x1E300] =	vst v63  }
0xe9: {  	_ =	swait.ge [sflag:s24], $0x1000  }
0xea: {  	[sflag:s24] =	ssyncset.done $0x0  }
0xeb: {  	[sflag:s24] =	ssyncadd.s32 $0xFFFFF000  }
0xec: {  	[spmem:s3] =	stream.indirect.scatter.add.bf16 [tilespmem:s18], [sflag:$0x5], $0x20, s29, s17, $0xb8;
	[tilespmem:$0x1E300] =	vst v63  }
0xed: {  	_ =	swait.ge [sflag:s15], $0x1000  }
0xee: {  	[sflag:s15] =	ssyncset.done $0x0  }
0xef: {  	[sflag:s15] =	ssyncadd.s32 $0xFFFFF000  }
0xf0: {  	_ =	swait.ge [sflag:s25], $0x1000  }
0xf1: {  	[sflag:s25] =	ssyncset.done $0x0  }
0xf2: {  	[sflag:s25] =	ssyncadd.s32 $0xFFFFF000  }
0xf3: {  	[spmem:s3] =	stream.indirect.scatter.add.bf16 [tilespmem:s19], [sflag:$0x5], $0x20, s30, s17, $0xb8;
	[tilespmem:$0x1E300] =	vst v63  }
0xf4: {  	_ =	swait.ge [sflag:s15], $0x1000  }
0xf5: {  	[sflag:s15] =	ssyncset.done $0x0  }
0xf6: {  	[sflag:s15] =	ssyncadd.s32 $0xFFFFF000  }
0xf7: {  	_ =	swait.ge [sflag:s26], $0x1000  }
0xf8: {  	[sflag:s26] =	ssyncset.done $0x0  }
0xf9: {  	[sflag:s26] =	ssyncadd.s32 $0xFFFFF000  }
0xfa: {  	[spmem:s3] =	stream.indirect.scatter.add.bf16 [tilespmem:s21], [sflag:$0x5], $0x20, s31, s17, $0xb8;
	[tilespmem:$0x1E300] =	vst v63  }
0xfb: {  	_ =	swait.ge [sflag:s15], $0x1000  }
0xfc: {  	[sflag:s15] =	ssyncset.done $0x0  }
0xfd: {  	[sflag:s15] =	ssyncadd.s32 $0xFFFFF000  }
0xfe: {  	s12 =	sadd.s32 $0x1, s12;
	_ =	swait.ge [sflag:s28], $0x1000  }
0xff: {  	p0 =	sne.s32 s12, $0x7;
	[sflag:s28] =	ssyncset.done $0x0  }
.Ltmp3:
0x100: {  	[sflag:s28] =	ssyncadd.s32 $0xFFFFF000;
	(pc) =	sbr.rel @p0 .LBB2_6-.Ltmp3, $4  }
0x101: {  	[spmem:s3] =	stream.indirect.scatter.add.bf16 [tilespmem:s23], [sflag:$0x5], $0x20, s1, s17, $0xb8;
	[tilespmem:$0x1E300] =	vst v63  }
0x102: {  	_ =	swait.ge [sflag:s15], $0x1000  }
0x103: {  	[sflag:s15] =	ssyncset.done $0x0  }
0x104: {  	[sflag:s15] =	ssyncadd.s32 $0xFFFFF000  }
0x105: {  	[bflag:$0x0] =	sbarrier.arrive $0xFFFF  }
0x106: {  	s12 =	rddreg [dreg:$0x4]  }
0x107: {  	s8 =	simm.s32 $0x8;
	s0 =	rddreg [dreg:$0x6]  }
0x108: {  	[hbm:s0@s8], [sflag:s12] =	dma.strided [spmem:s14@s28], $0x30E0, s24, $0x4   }
0x109: {  	_ =	swait.ge [sflag:s15], $0x30E0  }
0x10a: {  	s5 =	sadd.s32 $0x1, s5;
	s13 =	rddreg [dreg:$0x7]  }
0x10b: {  	p0 =	sne.s32 s5, s13  }
.Ltmp4:
0x10c: {  	_ = 	snop;
	(pc) =	sbr.rel @p0 .LBB2_1-.Ltmp4, $3  }
0x10d: {  	_ =	sdelay $0x1  }
0x10e: {  	[sflag:s15] =	ssyncset.done $0x0  }
0x10f: {  	s8 =	smov.u32 s9;
	[sflag:s15] =	ssyncadd.s32 $0xFFFFCF20  }
0x110: {  	_ =	sfence.sel $0x180000  }
0x111: {  	[bflag:$0x0] =	sbarrier.arrive $0xFFFF  }
0x112: {  	_ =	strace $0x9000004A  }
0x113: {  	s0 =	stileid.u32;
	[bflag:$0x2] =	sbarrier.arrive $0xFFFF  }
0x114: {  	p0 =	sne.s32 s0, $0x0;
	s0 =	rddreg [dreg:$0x3]  }
0x115: {  	s0 =	sadd.s32 @!p0 $0x100000, s0  }
0x116: {  	[sflag:s0] =	ssyncadd.tile.s32 @!p0 $0x1;
	_ =	shalt  }
.Lfunc_end2:
_tile_overlayer_lowered:
.L_overlay_start_2:
0x117: {  	(tag) =	ssettag $0x2  }
0x118: {  	s0 =	rddreg [dreg:$0x0];
	s2 =	stileid.u32  }
0x119: {  	s1 =	rddreg [dreg:$0x1];
	p0 =	sne.s32 s2, $0x0  }
0x11a: {  	s3 =	rddreg [dreg:$0x2];
	[bflag:$0x3] =	sbarrier.arrive $0xFFFF;
	s2 =	simm.s32 @!p0 $0x1C05  }
0x11b: {  	[timem:s3], [sflag:s2] =	dma.local @!p0 [hbm:s0], s1  }
0x11c: {  	s0 =	simm.s32 @!p0 $0x5  }
0x11d: {  	_ =	swait.ge @!p0 [sflag:s0], s1  }
0x11e: {  	s1 =	ssub.s32 @!p0 $0x0, s1;
	[sflag:s0] =	ssyncset.done @!p0 $0x0  }
0x11f: {  	[sflag:s0] =	ssyncadd.s32 @!p0 s1  }
0x120: {  	[bflag:$0x3] =	sbarrier.arrive $0xFFFF  }
0x121: {  	_ =	shalt  }

</sc_bundles>
